<compile_context>
chip_gen: v7x
topology: tpu7x:2x2x1
jax: 0.10.2.dev20260603
libtpu: 0.0.44.dev20260713+nightly
codegen_flags: <defaults>
</compile_context>

<pallas_src>
import functools
import math

import jax
from jax import lax
import jax.numpy as jnp
from jax.experimental import pallas as pl
from jax.experimental.pallas import tpu as pltpu
from jax.experimental.pallas import tpu_sc as plsc

T = 2048
D = 1024
E = 8
DFF = 1024
TOP_K = 2
_SCALE = 1.0 / math.sqrt(TOP_K)

BTS = 256
NBLK = 2 * T // BTS + E
SPAD = NBLK * BTS

NC, NS = 2, 16
NW = NC * NS

BT = 512
NT = T // BT


def _dot_t(a, b):
    return jax.lax.dot_general(a, b, (((1,), (1,)), ((), ())),
                               preferred_element_type=jnp.float32)


def _route_body(x_ref, gate_ref, sa_ref, sb_ref, wa_ref, wb_ref, bexp_ref):
    x = x_ref[...]
    logits = _dot_t(x, gate_ref[...])
    p = jax.nn.softmax(logits, axis=-1)
    m1 = jnp.max(p, axis=-1, keepdims=True)
    p_rest = jnp.where(p >= m1, -jnp.inf, p)
    m2 = jnp.max(p_rest, axis=-1, keepdims=True)
    mask = p >= m2
    pm = jnp.where(mask, p, 0.0)
    wd = pm / jnp.sum(pm, axis=-1, keepdims=True)

    ei = jax.lax.broadcasted_iota(jnp.int32, (T, E), 1)
    e1 = jnp.min(jnp.where(mask, ei, 8), axis=-1, keepdims=True)
    e2 = jnp.max(jnp.where(mask, ei, -1), axis=-1, keepdims=True)
    w1 = jnp.sum(jnp.where(ei == e1, wd, 0.0), axis=-1, keepdims=True)
    w2 = jnp.sum(jnp.where(ei == e2, wd, 0.0), axis=-1, keepdims=True)
    wa_ref[...] = (w1 * _SCALE) * jnp.ones((1, 16), jnp.float32)
    wb_ref[...] = (w2 * _SCALE) * jnp.ones((1, 16), jnp.float32)

    maskf = mask.astype(jnp.float32)
    s = maskf
    k = 1
    while k < T:
        s = s + jnp.concatenate([jnp.zeros((k, E), jnp.float32), s[:-k]],
                                axis=0)
        k *= 2
    rank = s - maskf
    count = jnp.sum(maskf, axis=0, keepdims=True)
    cpad = jnp.ceil(count * (1.0 / BTS)) * BTS
    base = jnp.zeros((1, 1), jnp.float32)
    bases = []
    for e in range(E):
        bases.append(base)
        base = base + cpad[:, e:e + 1]
    basev = jnp.concatenate(bases, axis=1)
    slotd = basev + rank
    sa = jnp.sum(jnp.where(ei == e1, slotd, 0.0), axis=-1, keepdims=True)
    sb = jnp.sum(jnp.where(ei == e2, slotd, 0.0), axis=-1, keepdims=True)
    sa_ref[...] = sa.astype(jnp.int32)
    sb_ref[...] = sb.astype(jnp.int32)

    ends = basev + cpad
    starts = jax.lax.broadcasted_iota(
        jnp.int32, (1, NBLK), 1).astype(jnp.float32) * BTS
    acc = jnp.zeros((1, NBLK), jnp.float32)
    for e in range(E):
        acc = acc + (starts >= ends[:, e:e + 1]).astype(jnp.float32)
    bexp_ref[...] = acc.astype(jnp.int32)


def _shared_body(x_ref, sgw_ref, sgp_ref, sup_ref, sdn_ref, gsh_ref):
    x = x_ref[...]
    gs = jax.nn.sigmoid(jnp.sum(x * sgw_ref[...], axis=1, keepdims=True))
    g = _dot_t(x, sgp_ref[...])
    u = _dot_t(x, sup_ref[...])
    h = g * jax.nn.sigmoid(g) * u
    gsh_ref[...] = (gs * _SCALE) * _dot_t(h, sdn_ref[...])


def _dispatch(x, idx2d):
    mesh = plsc.VectorSubcoreMesh(core_axis_name="c", subcore_axis_name="s")
    n_per_w = 2 * T // NW
    sub = 32
    nsub = n_per_w // sub

    @functools.partial(
        pl.kernel, mesh=mesh,
        out_type=jax.ShapeDtypeStruct((SPAD, D), jnp.float32),
        scratch_types=[pltpu.VMEM((nsub, sub), jnp.int32),
                       pltpu.VMEM((sub, D), jnp.float32),
                       pltpu.VMEM((sub, D), jnp.float32),
                       pltpu.VMEM((sub, D), jnp.float32),
                       pltpu.SemaphoreType.DMA,
                       pltpu.SemaphoreType.DMA,
                       pltpu.SemaphoreType.DMA,
                       pltpu.SemaphoreType.DMA,
                       pltpu.SemaphoreType.DMA,
                       pltpu.SemaphoreType.DMA],
    )
    def k(x_hbm, idx_hbm, xs_hbm, idx_v, rv0, rv1, rv2,
          ls0, ls1, ls2, ss0, ss1, ss2):
        wid = lax.axis_index("s") * NC + lax.axis_index("c")
        a0 = wid * n_per_w
        t0 = lax.rem(a0, T)
        pltpu.sync_copy(idx_hbm.at[pl.ds(wid * nsub, nsub)], idx_v)

        rvs, lss, sss = (rv0, rv1, rv2), (ls0, ls1, ls2), (ss0, ss1, ss2)
        loads = [pltpu.async_copy(x_hbm.at[pl.ds(t0 + s * sub, sub)],
                                  rvs[s], lss[s]) for s in range(3)]
        stores = {}
        for s in range(nsub):
            b = s % 3
            if s >= 3:
                stores[s - 3].wait()
                loads[b] = pltpu.async_copy(
                    x_hbm.at[pl.ds(t0 + s * sub, sub)], rvs[b], lss[b])
            loads[b].wait()
            stores[s] = pltpu.async_copy(rvs[b], xs_hbm.at[idx_v.at[s]],
                                         sss[b])
        for s in range(max(0, nsub - 3), nsub):
            stores[s].wait()

    return k(x, idx2d)


def _group_body(bexp_ref, xs_ref, wgp_ref, wup_ref, wdn_ref, ys_ref):
    i = pl.program_id(0)

    @pl.when(bexp_ref[i] < E)
    def _():
        x = xs_ref[...]
        g = _dot_t(x, wgp_ref[0])
        u = _dot_t(x, wup_ref[0])
        h = g * jax.nn.sigmoid(g) * u
        ys_ref[...] = _dot_t(h, wdn_ref[0])


def _combine(ys, sa, sb, wa, wb, gsh):
    mesh = plsc.VectorSubcoreMesh(core_axis_name="c", subcore_axis_name="s")
    n_per_w = T // NW
    sub = 32
    nsub = n_per_w // sub

    @functools.partial(
        pl.kernel, mesh=mesh,
        out_type=jax.ShapeDtypeStruct((T, D), jnp.float32),
        scratch_types=[pltpu.VMEM((sub,), jnp.int32),
                       pltpu.VMEM((sub,), jnp.int32),
                       pltpu.VMEM((sub, 16), jnp.float32),
                       pltpu.VMEM((sub, 16), jnp.float32),
                       pltpu.VMEM((sub, D), jnp.float32),
                       pltpu.VMEM((sub, D), jnp.float32),
                       pltpu.VMEM((sub, D), jnp.float32),
                       pltpu.SemaphoreType.DMA,
                       pltpu.SemaphoreType.DMA,
                       pltpu.SemaphoreType.DMA],
    )
    def k(ys_hbm, sa_hbm, sb_hbm, wa_hbm, wb_hbm, gsh_hbm, out_hbm,
          ia_v, ib_v, wa_v, wb_v, ya_v, yb_v, o_v, sem_a, sem_b, sem_g):
        wid = lax.axis_index("s") * NC + lax.axis_index("c")
        t0 = wid * n_per_w

        @pl.loop(0, nsub)
        def _(s):
            rows = pl.ds(t0 + s * sub, sub)
            pltpu.sync_copy(sa_hbm.at[rows], ia_v)
            pltpu.sync_copy(sb_hbm.at[rows], ib_v)
            pltpu.sync_copy(wa_hbm.at[rows], wa_v)
            pltpu.sync_copy(wb_hbm.at[rows], wb_v)
            ca = pltpu.async_copy(ys_hbm.at[ia_v], ya_v, sem_a)
            cb = pltpu.async_copy(ys_hbm.at[ib_v], yb_v, sem_b)
            cg = pltpu.async_copy(gsh_hbm.at[rows], o_v, sem_g)
            ca.wait()
            cb.wait()
            cg.wait()

            @pl.loop(0, sub)
            def _(r):
                rr = pl.ds(r, 1)
                wav = wa_v.at[rr, :][...]
                wbv = wb_v.at[rr, :][...]

                @pl.loop(0, D // 16, step=4)
                def _(c):
                    for j in range(4):
                        cc = pl.ds((c + j) * 16, 16)
                        o_v.at[rr, cc][...] += (
                            wav * ya_v.at[rr, cc][...]
                            + wbv * yb_v.at[rr, cc][...])

            pltpu.sync_copy(o_v, out_hbm.at[rows])

    return k(ys, sa, sb, wa, wb, gsh)


@jax.jit
def kernel(hidden_states, gate_w, shared_gate_w, Wgp, Wup, Wdn, Sgp, Sup, Sdn):
    x = hidden_states.reshape(T, D)

    full = lambda s: pl.BlockSpec(s, lambda *_: (0,) * len(s))
    tok = lambda d1: pl.BlockSpec((BT, d1), lambda t: (t, 0))

    sa, sb, wa, wb, bexp = pl.pallas_call(
        _route_body,
        in_specs=[full((T, D)), full((E, D))],
        out_specs=(full((T, 1)), full((T, 1)), full((T, 16)),
                   full((T, 16)), full((1, NBLK))),
        out_shape=(jax.ShapeDtypeStruct((T, 1), jnp.int32),
                   jax.ShapeDtypeStruct((T, 1), jnp.int32),
                   jax.ShapeDtypeStruct((T, 16), jnp.float32),
                   jax.ShapeDtypeStruct((T, 16), jnp.float32),
                   jax.ShapeDtypeStruct((1, NBLK), jnp.int32)),
    )(x, gate_w)

    gsh = pl.pallas_call(
        _shared_body,
        grid=(NT,),
        in_specs=[tok(D), full((1, D)), full((DFF, D)), full((DFF, D)),
                  full((D, DFF))],
        out_specs=tok(D),
        out_shape=jax.ShapeDtypeStruct((T, D), jnp.float32),
    )(x, shared_gate_w, Sgp, Sup, Sdn)

    idx = jnp.concatenate([sa.reshape(T), sb.reshape(T)]).reshape(-1, 32)
    xs = _dispatch(x, idx)

    ys = pl.pallas_call(
        _group_body,
        grid_spec=pltpu.PrefetchScalarGridSpec(
            num_scalar_prefetch=1,
            grid=(NBLK,),
            in_specs=[
                pl.BlockSpec((BTS, D), lambda i, bexp_ref: (i, 0)),
                pl.BlockSpec((1, DFF, D),
                             lambda i, be: (jnp.minimum(be[i], E - 1), 0, 0)),
                pl.BlockSpec((1, DFF, D),
                             lambda i, be: (jnp.minimum(be[i], E - 1), 0, 0)),
                pl.BlockSpec((1, D, DFF),
                             lambda i, be: (jnp.minimum(be[i], E - 1), 0, 0)),
            ],
            out_specs=pl.BlockSpec((BTS, D), lambda i, bexp_ref: (i, 0)),
        ),
        out_shape=jax.ShapeDtypeStruct((SPAD, D), jnp.float32),
    )(bexp.reshape(NBLK), xs, Wgp, Wup, Wdn)

    return _combine(ys, sa.reshape(T), sb.reshape(T), wa, wb, gsh)

# --- scband reference (transcript-rebuilt; emitter-appended) ---
"""Pipeline reference for scband-qwen2-moe-for-causal-lm-53953379173321 (READ-ONLY COPY).

The authoritative reference and input builder live on the scoring server;
editing this copy changes nothing except your own understanding.
"""

import jax, jax.numpy as jnp
import numpy as np

T = 2048
D = 1024
E = 8
DFF = 1024
TOP_K = 2

def _silu(x):
    return x * jax.nn.sigmoid(x)

def setup_inputs(seed: int = 0) -> dict:
    key = jax.random.key(seed)
    ks = jax.random.split(key, 10)
    s = 0.02
    hidden_states = jax.random.normal(ks[0], (T, D), dtype=jnp.float32)
    gate_w = jax.random.normal(ks[1], (E, D), dtype=jnp.float32) * s          # router gate (nn.Linear E<-D)
    shared_gate_w = jax.random.normal(ks[2], (1, D), dtype=jnp.float32) * s   # shared_expert_gate (1<-D)
    Wgp = jax.random.normal(ks[3], (E, DFF, D), dtype=jnp.float32) * s        # per-expert gate_proj
    Wup = jax.random.normal(ks[4], (E, DFF, D), dtype=jnp.float32) * s        # per-expert up_proj
    Wdn = jax.random.normal(ks[5], (E, D, DFF), dtype=jnp.float32) * s        # per-expert down_proj
    Sgp = jax.random.normal(ks[6], (DFF, D), dtype=jnp.float32) * s           # shared expert gate_proj
    Sup = jax.random.normal(ks[7], (DFF, D), dtype=jnp.float32) * s           # shared expert up_proj
    Sdn = jax.random.normal(ks[8], (D, DFF), dtype=jnp.float32) * s           # shared expert down_proj
    return {"hidden_states": hidden_states, "gate_w": gate_w, "shared_gate_w": shared_gate_w,
            "Wgp": Wgp, "Wup": Wup, "Wdn": Wdn, "Sgp": Sgp, "Sup": Sup, "Sdn": Sdn}

def reference(hidden_states, gate_w, shared_gate_w, Wgp, Wup, Wdn, Sgp, Sup, Sdn):
    x = hidden_states.reshape(-1, D)
    # shared experts (num_shared_experts = 1), SwiGLU MLP
    shared_output = jnp.dot(_silu(jnp.dot(x, Sgp.T)) * jnp.dot(x, Sup.T), Sdn.T)
    shared_gate_score = jax.nn.sigmoid(jnp.dot(x, shared_gate_w.T))  # [T, 1]
    # router: softmax in float32, top-k, renormalize (norm_topk_prob=True, top_k>1)
    logits = jax.nn.softmax(jnp.dot(x, gate_w.T).astype(jnp.float32), axis=-1)  # [T, E]
    router_top_value, router_top_indices = jax.lax.top_k(logits, TOP_K)
    router_top_value = router_top_value / jnp.sum(router_top_value, axis=-1, keepdims=True)
    # scatter top-k weights into dense [T, E] routing weights (one_hot * value, summed over k)
    weights = jnp.zeros((x.shape[0], E), dtype=jnp.float32)
    weights = weights.at[jnp.arange(x.shape[0])[:, None], router_top_indices].add(router_top_value)
    # expert computation (dense over experts; zero-weight experts contribute nothing)
    g = jnp.einsum('td,efd->tef', x, Wgp)          # [T, E, DFF]
    u = jnp.einsum('td,efd->tef', x, Wup)          # [T, E, DFF]
    h = _silu(g) * u
    expert_out = jnp.einsum('tef,edf->ted', h, Wdn)  # [T, E, D]
    final_states = jnp.sum(expert_out * weights[:, :, None].astype(x.dtype), axis=1)
    final_states = final_states + shared_gate_score * shared_output
    final_down_scale = 1.0 / (TOP_K ** 0.5)
    final_states = final_states * final_down_scale
    return final_states

if __name__ == "__main__":
    import jax
    _d = setup_inputs()
    print(jax.jit(kernel)(*tuple(_d.values())))

</pallas_src>

<mosaic_0001>
#map = affine_map<(d0, d1) -> (0, 0)>
#map1 = affine_map<(d0, d1) -> (0)>
module attributes {stable_mosaic.version = 14 : i64} {
  func.func @k(%arg0: i32, %arg1: i32, %arg2: memref<6144x1024xf32, #tpu.memory_space<hbm>>, %arg3: memref<2048xi32, #tpu.memory_space<hbm>>, %arg4: memref<2048xi32, #tpu.memory_space<hbm>>, %arg5: memref<2048x16xf32, #tpu.memory_space<hbm>>, %arg6: memref<2048x16xf32, #tpu.memory_space<hbm>>, %arg7: memref<2048x1024xf32, #tpu.memory_space<hbm>>, %arg8: memref<2048x1024xf32, #tpu.memory_space<hbm>>, %arg9: memref<32xi32, #tpu.memory_space<vmem>>, %arg10: memref<32xi32, #tpu.memory_space<vmem>>, %arg11: memref<32x16xf32, #tpu.memory_space<vmem>>, %arg12: memref<32x16xf32, #tpu.memory_space<vmem>>, %arg13: memref<32x1024xf32, #tpu.memory_space<vmem>>, %arg14: memref<32x1024xf32, #tpu.memory_space<vmem>>, %arg15: memref<32x1024xf32, #tpu.memory_space<vmem>>, %arg16: memref<!tpu.dma_semaphore, #tpu.memory_space<semaphore_mem>>, %arg17: memref<!tpu.dma_semaphore, #tpu.memory_space<semaphore_mem>>, %arg18: memref<!tpu.dma_semaphore, #tpu.memory_space<semaphore_mem>>) attributes {dimension_semantics = [#tpu.dimension_semantics<core_parallel>, #tpu.dimension_semantics<subcore_parallel>], iteration_bounds = array<i64: 2, 16>, scalar_prefetch = 0 : i64, scratch_operands = 10 : i64, tpu.core_type = #tpu.core_type<sc_vector_subcore>, window_params = [{transform_indices = #map}, {transform_indices = #map1}, {transform_indices = #map1}, {transform_indices = #map}, {transform_indices = #map}, {transform_indices = #map}, {transform_indices = #map}]} {
    %mul3A = arith.constant 2 : i32
    %mul3A_0 = arith.muli %arg1, %mul3A : i32
    %add3A = arith.addi %mul3A_0, %arg0 : i32
    %mul3A_1 = arith.constant 64 : i32
    %mul3A_2 = arith.muli %add3A, %mul3A_1 : i32
    %scan3A = arith.constant 0 : i32
    %scan3A_3 = arith.constant 2 : i32
    %scan3A_4 = arith.addi %scan3A, %scan3A_3 : i32
    %scan3A_5 = arith.constant 1 : i32
    scf.for %scan3A_7 = %scan3A to %scan3A_4 step %scan3A_5  : i32 {
      %mul3A_8 = arith.constant 1 : i32
      %mul3A_9 = arith.muli %scan3A_7, %mul3A_8 : i32
      %add3A_10 = arith.constant 0 : i32
      %add3A_11 = arith.addi %add3A_10, %mul3A_9 : i32
      %mul3A_12 = arith.constant 32 : i32
      %mul3A_13 = arith.muli %add3A_11, %mul3A_12 : i32
      %add3A_14 = arith.addi %mul3A_2, %mul3A_13 : i32
      "tpu.region"() ({
        %run_scoped3A = tpu.sem_alloc : memref<!tpu.dma_semaphore, #tpu.memory_space<semaphore_mem>>
        %dma_start3A_38 = tpu.memref_slice %arg3[%add3A_14] : memref<2048xi32, #tpu.memory_space<hbm>> -> memref<32xi32, #tpu.memory_space<hbm>>
        %dma_start3A_39 = tpu.memref_slice %arg3[%add3A_14] : memref<2048xi32, #tpu.memory_space<hbm>> -> memref<32xi32, #tpu.memory_space<hbm>>
        tpu.enqueue_dma source(%dma_start3A_39 : memref<32xi32, #tpu.memory_space<hbm>>) target(%arg9 : memref<32xi32, #tpu.memory_space<vmem>>) target_semaphore(%run_scoped3A : memref<!tpu.dma_semaphore, #tpu.memory_space<semaphore_mem>>)
        %dma_wait3A_40 = tpu.memref_slice %arg3[%add3A_14] : memref<2048xi32, #tpu.memory_space<hbm>> -> memref<32xi32, #tpu.memory_space<hbm>>
        %dma_wait3A_41 = tpu.memref_slice %arg3[%add3A_14] : memref<2048xi32, #tpu.memory_space<hbm>> -> memref<32xi32, #tpu.memory_space<hbm>>
        tpu.wait_dma2 semaphore(%run_scoped3A : memref<!tpu.dma_semaphore, #tpu.memory_space<semaphore_mem>>) src(%dma_wait3A_41 : memref<32xi32, #tpu.memory_space<hbm>>) dst(%arg9 : memref<32xi32, #tpu.memory_space<vmem>>)
        tpu.yield
      }) : () -> ()
      "tpu.region"() ({
        %run_scoped3A = tpu.sem_alloc : memref<!tpu.dma_semaphore, #tpu.memory_space<semaphore_mem>>
        %dma_start3A_38 = tpu.memref_slice %arg4[%add3A_14] : memref<2048xi32, #tpu.memory_space<hbm>> -> memref<32xi32, #tpu.memory_space<hbm>>
        %dma_start3A_39 = tpu.memref_slice %arg4[%add3A_14] : memref<2048xi32, #tpu.memory_space<hbm>> -> memref<32xi32, #tpu.memory_space<hbm>>
        tpu.enqueue_dma source(%dma_start3A_39 : memref<32xi32, #tpu.memory_space<hbm>>) target(%arg10 : memref<32xi32, #tpu.memory_space<vmem>>) target_semaphore(%run_scoped3A : memref<!tpu.dma_semaphore, #tpu.memory_space<semaphore_mem>>)
        %dma_wait3A_40 = tpu.memref_slice %arg4[%add3A_14] : memref<2048xi32, #tpu.memory_space<hbm>> -> memref<32xi32, #tpu.memory_space<hbm>>
        %dma_wait3A_41 = tpu.memref_slice %arg4[%add3A_14] : memref<2048xi32, #tpu.memory_space<hbm>> -> memref<32xi32, #tpu.memory_space<hbm>>
        tpu.wait_dma2 semaphore(%run_scoped3A : memref<!tpu.dma_semaphore, #tpu.memory_space<semaphore_mem>>) src(%dma_wait3A_41 : memref<32xi32, #tpu.memory_space<hbm>>) dst(%arg10 : memref<32xi32, #tpu.memory_space<vmem>>)
        tpu.yield
      }) : () -> ()
      "tpu.region"() ({
        %run_scoped3A = tpu.sem_alloc : memref<!tpu.dma_semaphore, #tpu.memory_space<semaphore_mem>>
        %dma_start3A_38 = arith.constant 0 : i32
        %dma_start3A_39 = tpu.memref_slice %arg5[%add3A_14, %dma_start3A_38] : memref<2048x16xf32, #tpu.memory_space<hbm>> -> memref<32x16xf32, #tpu.memory_space<hbm>>
        %dma_start3A_40 = arith.constant 0 : i32
        %dma_start3A_41 = tpu.memref_slice %arg5[%add3A_14, %dma_start3A_40] : memref<2048x16xf32, #tpu.memory_space<hbm>> -> memref<32x16xf32, #tpu.memory_space<hbm>>
        tpu.enqueue_dma source(%dma_start3A_41 : memref<32x16xf32, #tpu.memory_space<hbm>>) target(%arg11 : memref<32x16xf32, #tpu.memory_space<vmem>>) target_semaphore(%run_scoped3A : memref<!tpu.dma_semaphore, #tpu.memory_space<semaphore_mem>>)
        %dma_wait3A_42 = arith.constant 0 : i32
        %dma_wait3A_43 = tpu.memref_slice %arg5[%add3A_14, %dma_wait3A_42] : memref<2048x16xf32, #tpu.memory_space<hbm>> -> memref<32x16xf32, #tpu.memory_space<hbm>>
        %dma_wait3A_44 = arith.constant 0 : i32
        %dma_wait3A_45 = tpu.memref_slice %arg5[%add3A_14, %dma_wait3A_44] : memref<2048x16xf32, #tpu.memory_space<hbm>> -> memref<32x16xf32, #tpu.memory_space<hbm>>
        tpu.wait_dma2 semaphore(%run_scoped3A : memref<!tpu.dma_semaphore, #tpu.memory_space<semaphore_mem>>) src(%dma_wait3A_45 : memref<32x16xf32, #tpu.memory_space<hbm>>) dst(%arg11 : memref<32x16xf32, #tpu.memory_space<vmem>>)
        tpu.yield
      }) : () -> ()
      "tpu.region"() ({
        %run_scoped3A = tpu.sem_alloc : memref<!tpu.dma_semaphore, #tpu.memory_space<semaphore_mem>>
        %dma_start3A_38 = arith.constant 0 : i32
        %dma_start3A_39 = tpu.memref_slice %arg6[%add3A_14, %dma_start3A_38] : memref<2048x16xf32, #tpu.memory_space<hbm>> -> memref<32x16xf32, #tpu.memory_space<hbm>>
        %dma_start3A_40 = arith.constant 0 : i32
        %dma_start3A_41 = tpu.memref_slice %arg6[%add3A_14, %dma_start3A_40] : memref<2048x16xf32, #tpu.memory_space<hbm>> -> memref<32x16xf32, #tpu.memory_space<hbm>>
        tpu.enqueue_dma source(%dma_start3A_41 : memref<32x16xf32, #tpu.memory_space<hbm>>) target(%arg12 : memref<32x16xf32, #tpu.memory_space<vmem>>) target_semaphore(%run_scoped3A : memref<!tpu.dma_semaphore, #tpu.memory_space<semaphore_mem>>)
        %dma_wait3A_42 = arith.constant 0 : i32
        %dma_wait3A_43 = tpu.memref_slice %arg6[%add3A_14, %dma_wait3A_42] : memref<2048x16xf32, #tpu.memory_space<hbm>> -> memref<32x16xf32, #tpu.memory_space<hbm>>
        %dma_wait3A_44 = arith.constant 0 : i32
        %dma_wait3A_45 = tpu.memref_slice %arg6[%add3A_14, %dma_wait3A_44] : memref<2048x16xf32, #tpu.memory_space<hbm>> -> memref<32x16xf32, #tpu.memory_space<hbm>>
        tpu.wait_dma2 semaphore(%run_scoped3A : memref<!tpu.dma_semaphore, #tpu.memory_space<semaphore_mem>>) src(%dma_wait3A_45 : memref<32x16xf32, #tpu.memory_space<hbm>>) dst(%arg12 : memref<32x16xf32, #tpu.memory_space<vmem>>)
        tpu.yield
      }) : () -> ()
      %dma_start3A = arith.constant 0 : i32
      %dma_start3A_15 = arith.constant 0 : i32
      %dma_start3A_16 = tpu.memref_slice %arg2[%dma_start3A, %dma_start3A_15] : memref<6144x1024xf32, #tpu.memory_space<hbm>> -> memref<6144x1024xf32, #tpu.memory_space<hbm>>
      tpu.enqueue_indirect_dma source(%dma_start3A_16 : memref<6144x1024xf32, #tpu.memory_space<hbm>>) target(%arg13 : memref<32x1024xf32, #tpu.memory_space<vmem>>) offsets(%arg9 : memref<32xi32, #tpu.memory_space<vmem>>) semaphore(%arg16 : memref<!tpu.dma_semaphore, #tpu.memory_space<semaphore_mem>>)
      %dma_start3A_17 = arith.constant 0 : i32
      %dma_start3A_18 = arith.constant 0 : i32
      %dma_start3A_19 = tpu.memref_slice %arg2[%dma_start3A_17, %dma_start3A_18] : memref<6144x1024xf32, #tpu.memory_space<hbm>> -> memref<6144x1024xf32, #tpu.memory_space<hbm>>
      tpu.enqueue_indirect_dma source(%dma_start3A_19 : memref<6144x1024xf32, #tpu.memory_space<hbm>>) target(%arg14 : memref<32x1024xf32, #tpu.memory_space<vmem>>) offsets(%arg10 : memref<32xi32, #tpu.memory_space<vmem>>) semaphore(%arg17 : memref<!tpu.dma_semaphore, #tpu.memory_space<semaphore_mem>>)
      %dma_start3A_20 = arith.constant 0 : i32
      %dma_start3A_21 = tpu.memref_slice %arg7[%add3A_14, %dma_start3A_20] : memref<2048x1024xf32, #tpu.memory_space<hbm>> -> memref<32x1024xf32, #tpu.memory_space<hbm>>
      %dma_start3A_22 = arith.constant 0 : i32
      %dma_start3A_23 = tpu.memref_slice %arg7[%add3A_14, %dma_start3A_22] : memref<2048x1024xf32, #tpu.memory_space<hbm>> -> memref<32x1024xf32, #tpu.memory_space<hbm>>
      tpu.enqueue_dma source(%dma_start3A_23 : memref<32x1024xf32, #tpu.memory_space<hbm>>) target(%arg15 : memref<32x1024xf32, #tpu.memory_space<vmem>>) target_semaphore(%arg18 : memref<!tpu.dma_semaphore, #tpu.memory_space<semaphore_mem>>)
      %dma_wait3A = arith.constant 0 : i32
      %dma_wait3A_24 = arith.constant 0 : i32
      %dma_wait3A_25 = tpu.memref_slice %arg2[%dma_wait3A, %dma_wait3A_24] : memref<6144x1024xf32, #tpu.memory_space<hbm>> -> memref<6144x1024xf32, #tpu.memory_space<hbm>>
      tpu.wait_indirect_dma semaphore(%arg16 : memref<!tpu.dma_semaphore, #tpu.memory_space<semaphore_mem>>) src(%dma_wait3A_25 : memref<6144x1024xf32, #tpu.memory_space<hbm>>) dst(%arg13 : memref<32x1024xf32, #tpu.memory_space<vmem>>)
      %dma_wait3A_26 = arith.constant 0 : i32
      %dma_wait3A_27 = arith.constant 0 : i32
      %dma_wait3A_28 = tpu.memref_slice %arg2[%dma_wait3A_26, %dma_wait3A_27] : memref<6144x1024xf32, #tpu.memory_space<hbm>> -> memref<6144x1024xf32, #tpu.memory_space<hbm>>
      tpu.wait_indirect_dma semaphore(%arg17 : memref<!tpu.dma_semaphore, #tpu.memory_space<semaphore_mem>>) src(%dma_wait3A_28 : memref<6144x1024xf32, #tpu.memory_space<hbm>>) dst(%arg14 : memref<32x1024xf32, #tpu.memory_space<vmem>>)
      %dma_wait3A_29 = arith.constant 0 : i32
      %dma_wait3A_30 = tpu.memref_slice %arg7[%add3A_14, %dma_wait3A_29] : memref<2048x1024xf32, #tpu.memory_space<hbm>> -> memref<32x1024xf32, #tpu.memory_space<hbm>>
      %dma_wait3A_31 = arith.constant 0 : i32
      %dma_wait3A_32 = tpu.memref_slice %arg7[%add3A_14, %dma_wait3A_31] : memref<2048x1024xf32, #tpu.memory_space<hbm>> -> memref<32x1024xf32, #tpu.memory_space<hbm>>
      tpu.wait_dma2 semaphore(%arg18 : memref<!tpu.dma_semaphore, #tpu.memory_space<semaphore_mem>>) src(%dma_wait3A_32 : memref<32x1024xf32, #tpu.memory_space<hbm>>) dst(%arg15 : memref<32x1024xf32, #tpu.memory_space<vmem>>)
      %scan3A_33 = arith.constant 0 : i32
      %scan3A_34 = arith.constant 32 : i32
      %scan3A_35 = arith.addi %scan3A_33, %scan3A_34 : i32
      %scan3A_36 = arith.constant 1 : i32
      scf.for %scan3A_38 = %scan3A_33 to %scan3A_35 step %scan3A_36  : i32 {
        %mul3A_39 = arith.constant 1 : i32
        %mul3A_40 = arith.muli %scan3A_38, %mul3A_39 : i32
        %add3A_41 = arith.constant 0 : i32
        %add3A_42 = arith.addi %add3A_41, %mul3A_40 : i32
        %get3A = arith.index_cast %add3A_42 : i32 to index
        %get3A_43 = arith.constant 0 : index
        %get3A_44 = tpu.vector_load %arg11[%get3A, %get3A_43] {strides = array<i32>} : memref<32x16xf32, #tpu.memory_space<vmem>>, vector<1x16xf32>,
        %get3A_45 = vector.shape_cast %get3A_44 : vector<1x16xf32> to vector<1x16xf32>
        %get3A_46 = arith.index_cast %add3A_42 : i32 to index
        %get3A_47 = arith.constant 0 : index
        %get3A_48 = tpu.vector_load %arg12[%get3A_46, %get3A_47] {strides = array<i32>} : memref<32x16xf32, #tpu.memory_space<vmem>>, vector<1x16xf32>,
        %get3A_49 = vector.shape_cast %get3A_48 : vector<1x16xf32> to vector<1x16xf32>
        %scan3A_50 = arith.constant 0 : i32
        %scan3A_51 = arith.constant 16 : i32
        %scan3A_52 = arith.addi %scan3A_50, %scan3A_51 : i32
        %scan3A_53 = arith.constant 1 : i32
        scf.for %scan3A_55 = %scan3A_50 to %scan3A_52 step %scan3A_53  : i32 {
          %mul3A_56 = arith.constant 4 : i32
          %mul3A_57 = arith.muli %scan3A_55, %mul3A_56 : i32
          %add3A_58 = arith.constant 0 : i32
          %add3A_59 = arith.addi %add3A_58, %mul3A_57 : i32
          %add3A_60 = arith.constant 0 : i32
          %add3A_61 = arith.addi %add3A_59, %add3A_60 : i32
          %mul3A_62 = arith.constant 16 : i32
          %mul3A_63 = arith.muli %add3A_61, %mul3A_62 : i32
          %get3A_64 = arith.index_cast %add3A_42 : i32 to index
          %get3A_65 = arith.index_cast %mul3A_63 : i32 to index
          %get3A_66 = tpu.vector_load %arg15[%get3A_64, %get3A_65] {strides = array<i32>} : memref<32x1024xf32, #tpu.memory_space<vmem>>, vector<1x16xf32>,
          %get3A_67 = vector.shape_cast %get3A_66 : vector<1x16xf32> to vector<1x16xf32>
          %get3A_68 = arith.index_cast %add3A_42 : i32 to index
          %get3A_69 = arith.index_cast %mul3A_63 : i32 to index
          %get3A_70 = tpu.vector_load %arg13[%get3A_68, %get3A_69] {strides = array<i32>} : memref<32x1024xf32, #tpu.memory_space<vmem>>, vector<1x16xf32>,
          %get3A_71 = vector.shape_cast %get3A_70 : vector<1x16xf32> to vector<1x16xf32>
          %mul3A_72 = arith.mulf %get3A_45, %get3A_71 : vector<1x16xf32>
          %get3A_73 = arith.index_cast %add3A_42 : i32 to index
          %get3A_74 = arith.index_cast %mul3A_63 : i32 to index
          %get3A_75 = tpu.vector_load %arg14[%get3A_73, %get3A_74] {strides = array<i32>} : memref<32x1024xf32, #tpu.memory_space<vmem>>, vector<1x16xf32>,
          %get3A_76 = vector.shape_cast %get3A_75 : vector<1x16xf32> to vector<1x16xf32>
          %mul3A_77 = arith.mulf %get3A_49, %get3A_76 : vector<1x16xf32>
          %add3A_78 = arith.addf %mul3A_72, %mul3A_77 : vector<1x16xf32>
          %add3A_79 = arith.addf %get3A_67, %add3A_78 : vector<1x16xf32>
          %swap3A = arith.index_cast %add3A_42 : i32 to index
          %swap3A_80 = arith.index_cast %mul3A_63 : i32 to index
          %swap3A_81 = tpu.vector_load %arg15[%swap3A, %swap3A_80] {strides = array<i32>} : memref<32x1024xf32, #tpu.memory_space<vmem>>, vector<1x16xf32>,
          %swap3A_82 = vector.shape_cast %swap3A_81 : vector<1x16xf32> to vector<1x16xf32>
          %swap3A_83 = vector.shape_cast %add3A_79 : vector<1x16xf32> to vector<1x16xf32>
          tpu.vector_store %arg15[%swap3A, %swap3A_80], %swap3A_83 {strides = array<i32>} : memref<32x1024xf32, #tpu.memory_space<vmem>>, vector<1x16xf32>,
          %add3A_84 = arith.constant 1 : i32
          %add3A_85 = arith.addi %add3A_59, %add3A_84 : i32
          %mul3A_86 = arith.constant 16 : i32
          %mul3A_87 = arith.muli %add3A_85, %mul3A_86 : i32
          %get3A_88 = arith.index_cast %add3A_42 : i32 to index
          %get3A_89 = arith.index_cast %mul3A_87 : i32 to index
          %get3A_90 = tpu.vector_load %arg15[%get3A_88, %get3A_89] {strides = array<i32>} : memref<32x1024xf32, #tpu.memory_space<vmem>>, vector<1x16xf32>,
          %get3A_91 = vector.shape_cast %get3A_90 : vector<1x16xf32> to vector<1x16xf32>
          %get3A_92 = arith.index_cast %add3A_42 : i32 to index
          %get3A_93 = arith.index_cast %mul3A_87 : i32 to index
          %get3A_94 = tpu.vector_load %arg13[%get3A_92, %get3A_93] {strides = array<i32>} : memref<32x1024xf32, #tpu.memory_space<vmem>>, vector<1x16xf32>,
          %get3A_95 = vector.shape_cast %get3A_94 : vector<1x16xf32> to vector<1x16xf32>
          %mul3A_96 = arith.mulf %get3A_45, %get3A_95 : vector<1x16xf32>
          %get3A_97 = arith.index_cast %add3A_42 : i32 to index
          %get3A_98 = arith.index_cast %mul3A_87 : i32 to index
          %get3A_99 = tpu.vector_load %arg14[%get3A_97, %get3A_98] {strides = array<i32>} : memref<32x1024xf32, #tpu.memory_space<vmem>>, vector<1x16xf32>,
          %get3A_100 = vector.shape_cast %get3A_99 : vector<1x16xf32> to vector<1x16xf32>
          %mul3A_101 = arith.mulf %get3A_49, %get3A_100 : vector<1x16xf32>
          %add3A_102 = arith.addf %mul3A_96, %mul3A_101 : vector<1x16xf32>
          %add3A_103 = arith.addf %get3A_91, %add3A_102 : vector<1x16xf32>
          %swap3A_104 = arith.index_cast %add3A_42 : i32 to index
          %swap3A_105 = arith.index_cast %mul3A_87 : i32 to index
          %swap3A_106 = tpu.vector_load %arg15[%swap3A_104, %swap3A_105] {strides = array<i32>} : memref<32x1024xf32, #tpu.memory_space<vmem>>, vector<1x16xf32>,
          %swap3A_107 = vector.shape_cast %swap3A_106 : vector<1x16xf32> to vector<1x16xf32>
          %swap3A_108 = vector.shape_cast %add3A_103 : vector<1x16xf32> to vector<1x16xf32>
          tpu.vector_store %arg15[%swap3A_104, %swap3A_105], %swap3A_108 {strides = array<i32>} : memref<32x1024xf32, #tpu.memory_space<vmem>>, vector<1x16xf32>,
          %add3A_109 = arith.constant 2 : i32
          %add3A_110 = arith.addi %add3A_59, %add3A_109 : i32
          %mul3A_111 = arith.constant 16 : i32
          %mul3A_112 = arith.muli %add3A_110, %mul3A_111 : i32
          %get3A_113 = arith.index_cast %add3A_42 : i32 to index
          %get3A_114 = arith.index_cast %mul3A_112 : i32 to index
          %get3A_115 = tpu.vector_load %arg15[%get3A_113, %get3A_114] {strides = array<i32>} : memref<32x1024xf32, #tpu.memory_space<vmem>>, vector<1x16xf32>,
          %get3A_116 = vector.shape_cast %get3A_115 : vector<1x16xf32> to vector<1x16xf32>
          %get3A_117 = arith.index_cast %add3A_42 : i32 to index
          %get3A_118 = arith.index_cast %mul3A_112 : i32 to index
          %get3A_119 = tpu.vector_load %arg13[%get3A_117, %get3A_118] {strides = array<i32>} : memref<32x1024xf32, #tpu.memory_space<vmem>>, vector<1x16xf32>,
          %get3A_120 = vector.shape_cast %get3A_119 : vector<1x16xf32> to vector<1x16xf32>
          %mul3A_121 = arith.mulf %get3A_45, %get3A_120 : vector<1x16xf32>
          %get3A_122 = arith.index_cast %add3A_42 : i32 to index
          %get3A_123 = arith.index_cast %mul3A_112 : i32 to index
          %get3A_124 = tpu.vector_load %arg14[%get3A_122, %get3A_123] {strides = array<i32>} : memref<32x1024xf32, #tpu.memory_space<vmem>>, vector<1x16xf32>,
          %get3A_125 = vector.shape_cast %get3A_124 : vector<1x16xf32> to vector<1x16xf32>
          %mul3A_126 = arith.mulf %get3A_49, %get3A_125 : vector<1x16xf32>
          %add3A_127 = arith.addf %mul3A_121, %mul3A_126 : vector<1x16xf32>
          %add3A_128 = arith.addf %get3A_116, %add3A_127 : vector<1x16xf32>
          %swap3A_129 = arith.index_cast %add3A_42 : i32 to index
          %swap3A_130 = arith.index_cast %mul3A_112 : i32 to index
          %swap3A_131 = tpu.vector_load %arg15[%swap3A_129, %swap3A_130] {strides = array<i32>} : memref<32x1024xf32, #tpu.memory_space<vmem>>, vector<1x16xf32>,
          %swap3A_132 = vector.shape_cast %swap3A_131 : vector<1x16xf32> to vector<1x16xf32>
          %swap3A_133 = vector.shape_cast %add3A_128 : vector<1x16xf32> to vector<1x16xf32>
          tpu.vector_store %arg15[%swap3A_129, %swap3A_130], %swap3A_133 {strides = array<i32>} : memref<32x1024xf32, #tpu.memory_space<vmem>>, vector<1x16xf32>,
          %add3A_134 = arith.constant 3 : i32
          %add3A_135 = arith.addi %add3A_59, %add3A_134 : i32
          %mul3A_136 = arith.constant 16 : i32
          %mul3A_137 = arith.muli %add3A_135, %mul3A_136 : i32
          %get3A_138 = arith.index_cast %add3A_42 : i32 to index
          %get3A_139 = arith.index_cast %mul3A_137 : i32 to index
          %get3A_140 = tpu.vector_load %arg15[%get3A_138, %get3A_139] {strides = array<i32>} : memref<32x1024xf32, #tpu.memory_space<vmem>>, vector<1x16xf32>,
          %get3A_141 = vector.shape_cast %get3A_140 : vector<1x16xf32> to vector<1x16xf32>
          %get3A_142 = arith.index_cast %add3A_42 : i32 to index
          %get3A_143 = arith.index_cast %mul3A_137 : i32 to index
          %get3A_144 = tpu.vector_load %arg13[%get3A_142, %get3A_143] {strides = array<i32>} : memref<32x1024xf32, #tpu.memory_space<vmem>>, vector<1x16xf32>,
          %get3A_145 = vector.shape_cast %get3A_144 : vector<1x16xf32> to vector<1x16xf32>
          %mul3A_146 = arith.mulf %get3A_45, %get3A_145 : vector<1x16xf32>
          %get3A_147 = arith.index_cast %add3A_42 : i32 to index
          %get3A_148 = arith.index_cast %mul3A_137 : i32 to index
          %get3A_149 = tpu.vector_load %arg14[%get3A_147, %get3A_148] {strides = array<i32>} : memref<32x1024xf32, #tpu.memory_space<vmem>>, vector<1x16xf32>,
          %get3A_150 = vector.shape_cast %get3A_149 : vector<1x16xf32> to vector<1x16xf32>
          %mul3A_151 = arith.mulf %get3A_49, %get3A_150 : vector<1x16xf32>
          %add3A_152 = arith.addf %mul3A_146, %mul3A_151 : vector<1x16xf32>
          %add3A_153 = arith.addf %get3A_141, %add3A_152 : vector<1x16xf32>
          %swap3A_154 = arith.index_cast %add3A_42 : i32 to index
          %swap3A_155 = arith.index_cast %mul3A_137 : i32 to index
          %swap3A_156 = tpu.vector_load %arg15[%swap3A_154, %swap3A_155] {strides = array<i32>} : memref<32x1024xf32, #tpu.memory_space<vmem>>, vector<1x16xf32>,
          %swap3A_157 = vector.shape_cast %swap3A_156 : vector<1x16xf32> to vector<1x16xf32>
          %swap3A_158 = vector.shape_cast %add3A_153 : vector<1x16xf32> to vector<1x16xf32>
          tpu.vector_store %arg15[%swap3A_154, %swap3A_155], %swap3A_158 {strides = array<i32>} : memref<32x1024xf32, #tpu.memory_space<vmem>>, vector<1x16xf32>,
        }
        %scan3A_54 = arith.constant 16 : i32
      }
      %scan3A_37 = arith.constant 32 : i32
      "tpu.region"() ({
        %run_scoped3A = tpu.sem_alloc : memref<!tpu.dma_semaphore, #tpu.memory_space<semaphore_mem>>
        %dma_start3A_38 = arith.constant 0 : i32
        %dma_start3A_39 = tpu.memref_slice %arg8[%add3A_14, %dma_start3A_38] : memref<2048x1024xf32, #tpu.memory_space<hbm>> -> memref<32x1024xf32, #tpu.memory_space<hbm>>
        %dma_start3A_40 = arith.constant 0 : i32
        %dma_start3A_41 = tpu.memref_slice %arg8[%add3A_14, %dma_start3A_40] : memref<2048x1024xf32, #tpu.memory_space<hbm>> -> memref<32x1024xf32, #tpu.memory_space<hbm>>
        tpu.enqueue_dma source(%arg15 : memref<32x1024xf32, #tpu.memory_space<vmem>>) target(%dma_start3A_41 : memref<32x1024xf32, #tpu.memory_space<hbm>>) target_semaphore(%run_scoped3A : memref<!tpu.dma_semaphore, #tpu.memory_space<semaphore_mem>>)
        %dma_wait3A_42 = arith.constant 0 : i32
        %dma_wait3A_43 = tpu.memref_slice %arg8[%add3A_14, %dma_wait3A_42] : memref<2048x1024xf32, #tpu.memory_space<hbm>> -> memref<32x1024xf32, #tpu.memory_space<hbm>>
        %dma_wait3A_44 = arith.constant 0 : i32
        %dma_wait3A_45 = tpu.memref_slice %arg8[%add3A_14, %dma_wait3A_44] : memref<2048x1024xf32, #tpu.memory_space<hbm>> -> memref<32x1024xf32, #tpu.memory_space<hbm>>
        tpu.wait_dma2 semaphore(%run_scoped3A : memref<!tpu.dma_semaphore, #tpu.memory_space<semaphore_mem>>) src(%arg15 : memref<32x1024xf32, #tpu.memory_space<vmem>>) dst(%dma_wait3A_45 : memref<32x1024xf32, #tpu.memory_space<hbm>>)
        tpu.yield
      }) : () -> ()
    }
    %scan3A_6 = arith.constant 2 : i32
    return
  }
}

#map = affine_map<(d0, d1) -> (0, 0)>
module attributes {stable_mosaic.version = 14 : i64} {
  func.func @k(%arg0: i32, %arg1: i32, %arg2: memref<2048x1024xf32, #tpu.memory_space<hbm>>, %arg3: memref<128x32xi32, #tpu.memory_space<hbm>>, %arg4: memref<6144x1024xf32, #tpu.memory_space<hbm>>, %arg5: memref<4x32xi32, #tpu.memory_space<vmem>>, %arg6: memref<32x1024xf32, #tpu.memory_space<vmem>>, %arg7: memref<32x1024xf32, #tpu.memory_space<vmem>>, %arg8: memref<32x1024xf32, #tpu.memory_space<vmem>>, %arg9: memref<!tpu.dma_semaphore, #tpu.memory_space<semaphore_mem>>, %arg10: memref<!tpu.dma_semaphore, #tpu.memory_space<semaphore_mem>>, %arg11: memref<!tpu.dma_semaphore, #tpu.memory_space<semaphore_mem>>, %arg12: memref<!tpu.dma_semaphore, #tpu.memory_space<semaphore_mem>>, %arg13: memref<!tpu.dma_semaphore, #tpu.memory_space<semaphore_mem>>, %arg14: memref<!tpu.dma_semaphore, #tpu.memory_space<semaphore_mem>>) attributes {dimension_semantics = [#tpu.dimension_semantics<core_parallel>, #tpu.dimension_semantics<subcore_parallel>], iteration_bounds = array<i64: 2, 16>, scalar_prefetch = 0 : i64, scratch_operands = 10 : i64, tpu.core_type = #tpu.core_type<sc_vector_subcore>, window_params = [{transform_indices = #map}, {transform_indices = #map}, {transform_indices = #map}]} {
    %mul3A = arith.constant 2 : i32
    %mul3A_0 = arith.muli %arg1, %mul3A : i32
    %add3A = arith.addi %mul3A_0, %arg0 : i32
    %mul3A_1 = arith.constant 128 : i32
    %mul3A_2 = arith.muli %add3A, %mul3A_1 : i32
    %rem3A = arith.constant 2048 : i32
    %rem3A_3 = arith.remsi %mul3A_2, %rem3A : i32
    %mul3A_4 = arith.constant 4 : i32
    %mul3A_5 = arith.muli %add3A, %mul3A_4 : i32
    "tpu.region"() ({
      %run_scoped3A = tpu.sem_alloc : memref<!tpu.dma_semaphore, #tpu.memory_space<semaphore_mem>>
      %dma_start3A_100 = arith.constant 0 : i32
      %dma_start3A_101 = tpu.memref_slice %arg3[%mul3A_5, %dma_start3A_100] : memref<128x32xi32, #tpu.memory_space<hbm>> -> memref<4x32xi32, #tpu.memory_space<hbm>>
      %dma_start3A_102 = arith.constant 0 : i32
      %dma_start3A_103 = tpu.memref_slice %arg3[%mul3A_5, %dma_start3A_102] : memref<128x32xi32, #tpu.memory_space<hbm>> -> memref<4x32xi32, #tpu.memory_space<hbm>>
      tpu.enqueue_dma source(%dma_start3A_103 : memref<4x32xi32, #tpu.memory_space<hbm>>) target(%arg5 : memref<4x32xi32, #tpu.memory_space<vmem>>) target_semaphore(%run_scoped3A : memref<!tpu.dma_semaphore, #tpu.memory_space<semaphore_mem>>)
      %dma_wait3A_104 = arith.constant 0 : i32
      %dma_wait3A_105 = tpu.memref_slice %arg3[%mul3A_5, %dma_wait3A_104] : memref<128x32xi32, #tpu.memory_space<hbm>> -> memref<4x32xi32, #tpu.memory_space<hbm>>
      %dma_wait3A_106 = arith.constant 0 : i32
      %dma_wait3A_107 = tpu.memref_slice %arg3[%mul3A_5, %dma_wait3A_106] : memref<128x32xi32, #tpu.memory_space<hbm>> -> memref<4x32xi32, #tpu.memory_space<hbm>>
      tpu.wait_dma2 semaphore(%run_scoped3A : memref<!tpu.dma_semaphore, #tpu.memory_space<semaphore_mem>>) src(%dma_wait3A_107 : memref<4x32xi32, #tpu.memory_space<hbm>>) dst(%arg5 : memref<4x32xi32, #tpu.memory_space<vmem>>)
      tpu.yield
    }) : () -> ()
    %add3A_6 = arith.constant 0 : i32
    %add3A_7 = arith.addi %rem3A_3, %add3A_6 : i32
    %dma_start3A = arith.constant 0 : i32
    %dma_start3A_8 = tpu.memref_slice %arg2[%add3A_7, %dma_start3A] : memref<2048x1024xf32, #tpu.memory_space<hbm>> -> memref<32x1024xf32, #tpu.memory_space<hbm>>
    %dma_start3A_9 = arith.constant 0 : i32
    %dma_start3A_10 = tpu.memref_slice %arg2[%add3A_7, %dma_start3A_9] : memref<2048x1024xf32, #tpu.memory_space<hbm>> -> memref<32x1024xf32, #tpu.memory_space<hbm>>
    tpu.enqueue_dma source(%dma_start3A_10 : memref<32x1024xf32, #tpu.memory_space<hbm>>) target(%arg6 : memref<32x1024xf32, #tpu.memory_space<vmem>>) target_semaphore(%arg9 : memref<!tpu.dma_semaphore, #tpu.memory_space<semaphore_mem>>)
    %add3A_11 = arith.constant 32 : i32
    %add3A_12 = arith.addi %rem3A_3, %add3A_11 : i32
    %dma_start3A_13 = arith.constant 0 : i32
    %dma_start3A_14 = tpu.memref_slice %arg2[%add3A_12, %dma_start3A_13] : memref<2048x1024xf32, #tpu.memory_space<hbm>> -> memref<32x1024xf32, #tpu.memory_space<hbm>>
    %dma_start3A_15 = arith.constant 0 : i32
    %dma_start3A_16 = tpu.memref_slice %arg2[%add3A_12, %dma_start3A_15] : memref<2048x1024xf32, #tpu.memory_space<hbm>> -> memref<32x1024xf32, #tpu.memory_space<hbm>>
    tpu.enqueue_dma source(%dma_start3A_16 : memref<32x1024xf32, #tpu.memory_space<hbm>>) target(%arg7 : memref<32x1024xf32, #tpu.memory_space<vmem>>) target_semaphore(%arg10 : memref<!tpu.dma_semaphore, #tpu.memory_space<semaphore_mem>>)
    %add3A_17 = arith.constant 64 : i32
    %add3A_18 = arith.addi %rem3A_3, %add3A_17 : i32
    %dma_start3A_19 = arith.constant 0 : i32
    %dma_start3A_20 = tpu.memref_slice %arg2[%add3A_18, %dma_start3A_19] : memref<2048x1024xf32, #tpu.memory_space<hbm>> -> memref<32x1024xf32, #tpu.memory_space<hbm>>
    %dma_start3A_21 = arith.constant 0 : i32
    %dma_start3A_22 = tpu.memref_slice %arg2[%add3A_18, %dma_start3A_21] : memref<2048x1024xf32, #tpu.memory_space<hbm>> -> memref<32x1024xf32, #tpu.memory_space<hbm>>
    tpu.enqueue_dma source(%dma_start3A_22 : memref<32x1024xf32, #tpu.memory_space<hbm>>) target(%arg8 : memref<32x1024xf32, #tpu.memory_space<vmem>>) target_semaphore(%arg11 : memref<!tpu.dma_semaphore, #tpu.memory_space<semaphore_mem>>)
    %dma_wait3A = arith.constant 0 : i32
    %dma_wait3A_23 = tpu.memref_slice %arg2[%add3A_7, %dma_wait3A] : memref<2048x1024xf32, #tpu.memory_space<hbm>> -> memref<32x1024xf32, #tpu.memory_space<hbm>>
    %dma_wait3A_24 = arith.constant 0 : i32
    %dma_wait3A_25 = tpu.memref_slice %arg2[%add3A_7, %dma_wait3A_24] : memref<2048x1024xf32, #tpu.memory_space<hbm>> -> memref<32x1024xf32, #tpu.memory_space<hbm>>
    tpu.wait_dma2 semaphore(%arg9 : memref<!tpu.dma_semaphore, #tpu.memory_space<semaphore_mem>>) src(%dma_wait3A_25 : memref<32x1024xf32, #tpu.memory_space<hbm>>) dst(%arg6 : memref<32x1024xf32, #tpu.memory_space<vmem>>)
    %dma_start3A_26 = arith.constant 0 : i32
    %dma_start3A_27 = arith.constant 0 : i32
    %dma_start3A_28 = tpu.memref_slice %arg5[%dma_start3A_26, %dma_start3A_27] : memref<4x32xi32, #tpu.memory_space<vmem>> -> memref<1x32xi32, #tpu.memory_space<vmem>>
    %dma_start3A_29 = tpu.memref_squeeze %dma_start3A_28 : memref<1x32xi32, #tpu.memory_space<vmem>> -> memref<32xi32, #tpu.memory_space<vmem>>
    %dma_start3A_30 = arith.constant 0 : i32
    %dma_start3A_31 = arith.constant 0 : i32
    %dma_start3A_32 = tpu.memref_slice %arg4[%dma_start3A_30, %dma_start3A_31] : memref<6144x1024xf32, #tpu.memory_space<hbm>> -> memref<6144x1024xf32, #tpu.memory_space<hbm>>
    tpu.enqueue_indirect_dma source(%arg6 : memref<32x1024xf32, #tpu.memory_space<vmem>>) target(%dma_start3A_32 : memref<6144x1024xf32, #tpu.memory_space<hbm>>) offsets(%dma_start3A_29 : memref<32xi32, #tpu.memory_space<vmem>>) semaphore(%arg12 : memref<!tpu.dma_semaphore, #tpu.memory_space<semaphore_mem>>)
    %dma_wait3A_33 = arith.constant 0 : i32
    %dma_wait3A_34 = tpu.memref_slice %arg2[%add3A_12, %dma_wait3A_33] : memref<2048x1024xf32, #tpu.memory_space<hbm>> -> memref<32x1024xf32, #tpu.memory_space<hbm>>
    %dma_wait3A_35 = arith.constant 0 : i32
    %dma_wait3A_36 = tpu.memref_slice %arg2[%add3A_12, %dma_wait3A_35] : memref<2048x1024xf32, #tpu.memory_space<hbm>> -> memref<32x1024xf32, #tpu.memory_space<hbm>>
    tpu.wait_dma2 semaphore(%arg10 : memref<!tpu.dma_semaphore, #tpu.memory_space<semaphore_mem>>) src(%dma_wait3A_36 : memref<32x1024xf32, #tpu.memory_space<hbm>>) dst(%arg7 : memref<32x1024xf32, #tpu.memory_space<vmem>>)
    %dma_start3A_37 = arith.constant 1 : i32
    %dma_start3A_38 = arith.constant 0 : i32
    %dma_start3A_39 = tpu.memref_slice %arg5[%dma_start3A_37, %dma_start3A_38] : memref<4x32xi32, #tpu.memory_space<vmem>> -> memref<1x32xi32, #tpu.memory_space<vmem>>
    %dma_start3A_40 = tpu.memref_squeeze %dma_start3A_39 : memref<1x32xi32, #tpu.memory_space<vmem>> -> memref<32xi32, #tpu.memory_space<vmem>>
    %dma_start3A_41 = arith.constant 0 : i32
    %dma_start3A_42 = arith.constant 0 : i32
    %dma_start3A_43 = tpu.memref_slice %arg4[%dma_start3A_41, %dma_start3A_42] : memref<6144x1024xf32, #tpu.memory_space<hbm>> -> memref<6144x1024xf32, #tpu.memory_space<hbm>>
    tpu.enqueue_indirect_dma source(%arg7 : memref<32x1024xf32, #tpu.memory_space<vmem>>) target(%dma_start3A_43 : memref<6144x1024xf32, #tpu.memory_space<hbm>>) offsets(%dma_start3A_40 : memref<32xi32, #tpu.memory_space<vmem>>) semaphore(%arg13 : memref<!tpu.dma_semaphore, #tpu.memory_space<semaphore_mem>>)
    %dma_wait3A_44 = arith.constant 0 : i32
    %dma_wait3A_45 = tpu.memref_slice %arg2[%add3A_18, %dma_wait3A_44] : memref<2048x1024xf32, #tpu.memory_space<hbm>> -> memref<32x1024xf32, #tpu.memory_space<hbm>>
    %dma_wait3A_46 = arith.constant 0 : i32
    %dma_wait3A_47 = tpu.memref_slice %arg2[%add3A_18, %dma_wait3A_46] : memref<2048x1024xf32, #tpu.memory_space<hbm>> -> memref<32x1024xf32, #tpu.memory_space<hbm>>
    tpu.wait_dma2 semaphore(%arg11 : memref<!tpu.dma_semaphore, #tpu.memory_space<semaphore_mem>>) src(%dma_wait3A_47 : memref<32x1024xf32, #tpu.memory_space<hbm>>) dst(%arg8 : memref<32x1024xf32, #tpu.memory_space<vmem>>)
    %dma_start3A_48 = arith.constant 2 : i32
    %dma_start3A_49 = arith.constant 0 : i32
    %dma_start3A_50 = tpu.memref_slice %arg5[%dma_start3A_48, %dma_start3A_49] : memref<4x32xi32, #tpu.memory_space<vmem>> -> memref<1x32xi32, #tpu.memory_space<vmem>>
    %dma_start3A_51 = tpu.memref_squeeze %dma_start3A_50 : memref<1x32xi32, #tpu.memory_space<vmem>> -> memref<32xi32, #tpu.memory_space<vmem>>
    %dma_start3A_52 = arith.constant 0 : i32
    %dma_start3A_53 = arith.constant 0 : i32
    %dma_start3A_54 = tpu.memref_slice %arg4[%dma_start3A_52, %dma_start3A_53] : memref<6144x1024xf32, #tpu.memory_space<hbm>> -> memref<6144x1024xf32, #tpu.memory_space<hbm>>
    tpu.enqueue_indirect_dma source(%arg8 : memref<32x1024xf32, #tpu.memory_space<vmem>>) target(%dma_start3A_54 : memref<6144x1024xf32, #tpu.memory_space<hbm>>) offsets(%dma_start3A_51 : memref<32xi32, #tpu.memory_space<vmem>>) semaphore(%arg14 : memref<!tpu.dma_semaphore, #tpu.memory_space<semaphore_mem>>)
    %dma_wait3A_55 = arith.constant 0 : i32
    %dma_wait3A_56 = arith.constant 0 : i32
    %dma_wait3A_57 = tpu.memref_slice %arg5[%dma_wait3A_55, %dma_wait3A_56] : memref<4x32xi32, #tpu.memory_space<vmem>> -> memref<1x32xi32, #tpu.memory_space<vmem>>
    %dma_wait3A_58 = tpu.memref_squeeze %dma_wait3A_57 : memref<1x32xi32, #tpu.memory_space<vmem>> -> memref<32xi32, #tpu.memory_space<vmem>>
    %dma_wait3A_59 = arith.constant 0 : i32
    %dma_wait3A_60 = arith.constant 0 : i32
    %dma_wait3A_61 = tpu.memref_slice %arg4[%dma_wait3A_59, %dma_wait3A_60] : memref<6144x1024xf32, #tpu.memory_space<hbm>> -> memref<6144x1024xf32, #tpu.memory_space<hbm>>
    tpu.wait_indirect_dma semaphore(%arg12 : memref<!tpu.dma_semaphore, #tpu.memory_space<semaphore_mem>>) src(%arg6 : memref<32x1024xf32, #tpu.memory_space<vmem>>) dst(%dma_wait3A_61 : memref<6144x1024xf32, #tpu.memory_space<hbm>>)
    %add3A_62 = arith.constant 96 : i32
    %add3A_63 = arith.addi %rem3A_3, %add3A_62 : i32
    %dma_start3A_64 = arith.constant 0 : i32
    %dma_start3A_65 = tpu.memref_slice %arg2[%add3A_63, %dma_start3A_64] : memref<2048x1024xf32, #tpu.memory_space<hbm>> -> memref<32x1024xf32, #tpu.memory_space<hbm>>
    %dma_start3A_66 = arith.constant 0 : i32
    %dma_start3A_67 = tpu.memref_slice %arg2[%add3A_63, %dma_start3A_66] : memref<2048x1024xf32, #tpu.memory_space<hbm>> -> memref<32x1024xf32, #tpu.memory_space<hbm>>
    tpu.enqueue_dma source(%dma_start3A_67 : memref<32x1024xf32, #tpu.memory_space<hbm>>) target(%arg6 : memref<32x1024xf32, #tpu.memory_space<vmem>>) target_semaphore(%arg9 : memref<!tpu.dma_semaphore, #tpu.memory_space<semaphore_mem>>)
    %dma_wait3A_68 = arith.constant 0 : i32
    %dma_wait3A_69 = tpu.memref_slice %arg2[%add3A_63, %dma_wait3A_68] : memref<2048x1024xf32, #tpu.memory_space<hbm>> -> memref<32x1024xf32, #tpu.memory_space<hbm>>
    %dma_wait3A_70 = arith.constant 0 : i32
    %dma_wait3A_71 = tpu.memref_slice %arg2[%add3A_63, %dma_wait3A_70] : memref<2048x1024xf32, #tpu.memory_space<hbm>> -> memref<32x1024xf32, #tpu.memory_space<hbm>>
    tpu.wait_dma2 semaphore(%arg9 : memref<!tpu.dma_semaphore, #tpu.memory_space<semaphore_mem>>) src(%dma_wait3A_71 : memref<32x1024xf32, #tpu.memory_space<hbm>>) dst(%arg6 : memref<32x1024xf32, #tpu.memory_space<vmem>>)
    %dma_start3A_72 = arith.constant 3 : i32
    %dma_start3A_73 = arith.constant 0 : i32
    %dma_start3A_74 = tpu.memref_slice %arg5[%dma_start3A_72, %dma_start3A_73] : memref<4x32xi32, #tpu.memory_space<vmem>> -> memref<1x32xi32, #tpu.memory_space<vmem>>
    %dma_start3A_75 = tpu.memref_squeeze %dma_start3A_74 : memref<1x32xi32, #tpu.memory_space<vmem>> -> memref<32xi32, #tpu.memory_space<vmem>>
    %dma_start3A_76 = arith.constant 0 : i32
    %dma_start3A_77 = arith.constant 0 : i32
    %dma_start3A_78 = tpu.memref_slice %arg4[%dma_start3A_76, %dma_start3A_77] : memref<6144x1024xf32, #tpu.memory_space<hbm>> -> memref<6144x1024xf32, #tpu.memory_space<hbm>>
    tpu.enqueue_indirect_dma source(%arg6 : memref<32x1024xf32, #tpu.memory_space<vmem>>) target(%dma_start3A_78 : memref<6144x1024xf32, #tpu.memory_space<hbm>>) offsets(%dma_start3A_75 : memref<32xi32, #tpu.memory_space<vmem>>) semaphore(%arg12 : memref<!tpu.dma_semaphore, #tpu.memory_space<semaphore_mem>>)
    %dma_wait3A_79 = arith.constant 1 : i32
    %dma_wait3A_80 = arith.constant 0 : i32
    %dma_wait3A_81 = tpu.memref_slice %arg5[%dma_wait3A_79, %dma_wait3A_80] : memref<4x32xi32, #tpu.memory_space<vmem>> -> memref<1x32xi32, #tpu.memory_space<vmem>>
    %dma_wait3A_82 = tpu.memref_squeeze %dma_wait3A_81 : memref<1x32xi32, #tpu.memory_space<vmem>> -> memref<32xi32, #tpu.memory_space<vmem>>
    %dma_wait3A_83 = arith.constant 0 : i32
    %dma_wait3A_84 = arith.constant 0 : i32
    %dma_wait3A_85 = tpu.memref_slice %arg4[%dma_wait3A_83, %dma_wait3A_84] : memref<6144x1024xf32, #tpu.memory_space<hbm>> -> memref<6144x1024xf32, #tpu.memory_space<hbm>>
    tpu.wait_indirect_dma semaphore(%arg13 : memref<!tpu.dma_semaphore, #tpu.memory_space<semaphore_mem>>) src(%arg7 : memref<32x1024xf32, #tpu.memory_space<vmem>>) dst(%dma_wait3A_85 : memref<6144x1024xf32, #tpu.memory_space<hbm>>)
    %dma_wait3A_86 = arith.constant 2 : i32
    %dma_wait3A_87 = arith.constant 0 : i32
    %dma_wait3A_88 = tpu.memref_slice %arg5[%dma_wait3A_86, %dma_wait3A_87] : memref<4x32xi32, #tpu.memory_space<vmem>> -> memref<1x32xi32, #tpu.memory_space<vmem>>
    %dma_wait3A_89 = tpu.memref_squeeze %dma_wait3A_88 : memref<1x32xi32, #tpu.memory_space<vmem>> -> memref<32xi32, #tpu.memory_space<vmem>>
    %dma_wait3A_90 = arith.constant 0 : i32
    %dma_wait3A_91 = arith.constant 0 : i32
    %dma_wait3A_92 = tpu.memref_slice %arg4[%dma_wait3A_90, %dma_wait3A_91] : memref<6144x1024xf32, #tpu.memory_space<hbm>> -> memref<6144x1024xf32, #tpu.memory_space<hbm>>
    tpu.wait_indirect_dma semaphore(%arg14 : memref<!tpu.dma_semaphore, #tpu.memory_space<semaphore_mem>>) src(%arg8 : memref<32x1024xf32, #tpu.memory_space<vmem>>) dst(%dma_wait3A_92 : memref<6144x1024xf32, #tpu.memory_space<hbm>>)
    %dma_wait3A_93 = arith.constant 3 : i32
    %dma_wait3A_94 = arith.constant 0 : i32
    %dma_wait3A_95 = tpu.memref_slice %arg5[%dma_wait3A_93, %dma_wait3A_94] : memref<4x32xi32, #tpu.memory_space<vmem>> -> memref<1x32xi32, #tpu.memory_space<vmem>>
    %dma_wait3A_96 = tpu.memref_squeeze %dma_wait3A_95 : memref<1x32xi32, #tpu.memory_space<vmem>> -> memref<32xi32, #tpu.memory_space<vmem>>
    %dma_wait3A_97 = arith.constant 0 : i32
    %dma_wait3A_98 = arith.constant 0 : i32
    %dma_wait3A_99 = tpu.memref_slice %arg4[%dma_wait3A_97, %dma_wait3A_98] : memref<6144x1024xf32, #tpu.memory_space<hbm>> -> memref<6144x1024xf32, #tpu.memory_space<hbm>>
    tpu.wait_indirect_dma semaphore(%arg12 : memref<!tpu.dma_semaphore, #tpu.memory_space<semaphore_mem>>) src(%arg6 : memref<32x1024xf32, #tpu.memory_space<vmem>>) dst(%dma_wait3A_99 : memref<6144x1024xf32, #tpu.memory_space<hbm>>)
    return
  }
}

module attributes {stable_mosaic.version = 14 : i64} {
  func.func @_shared_body(%arg0: i32, %arg1: memref<512x1024xf32, #tpu.memory_space<vmem>>, %arg2: memref<1x1024xf32, #tpu.memory_space<vmem>>, %arg3: memref<1024x1024xf32, #tpu.memory_space<vmem>>, %arg4: memref<1024x1024xf32, #tpu.memory_space<vmem>>, %arg5: memref<1024x1024xf32, #tpu.memory_space<vmem>>, %arg6: memref<512x1024xf32, #tpu.memory_space<vmem>>) attributes {dimension_semantics = [#tpu.dimension_semantics<arbitrary>], iteration_bounds = array<i64: 4>, scalar_prefetch = 0 : i64, scratch_operands = 0 : i64, tpu.core_type = #tpu.core_type<tc>, window_params = [{transform_indices = @transform_0, window_bounds = array<i64: 512, 1024>}, {pipeline_mode = #tpu.pipeline_mode<synchronous>, transform_indices = @transform_1, window_bounds = array<i64: 1, 1024>}, {pipeline_mode = #tpu.pipeline_mode<synchronous>, transform_indices = @transform_2, window_bounds = array<i64: 1024, 1024>}, {pipeline_mode = #tpu.pipeline_mode<synchronous>, transform_indices = @transform_3, window_bounds = array<i64: 1024, 1024>}, {pipeline_mode = #tpu.pipeline_mode<synchronous>, transform_indices = @transform_4, window_bounds = array<i64: 1024, 1024>}, {transform_indices = @transform_5, window_bounds = array<i64: 512, 1024>}]} {
    %get3A = arith.constant 0 : index
    %get3A_0 = arith.constant 0 : index
    %get3A_1 = vector.load %arg1[%get3A, %get3A_0] : memref<512x1024xf32, #tpu.memory_space<vmem>>, vector<512x1024xf32>
    %get3A_2 = arith.constant 0 : index
    %get3A_3 = arith.constant 0 : index
    %get3A_4 = vector.load %arg2[%get3A_2, %get3A_3] : memref<1x1024xf32, #tpu.memory_space<vmem>>, vector<1x1024xf32>
    %mul3A = vector.broadcast %get3A_4 : vector<1x1024xf32> to vector<512x1024xf32>
    %mul3A_5 = arith.mulf %get3A_1, %mul3A : vector<512x1024xf32>
    %reduce_sum3A = arith.constant dense<0.000000e+00> : vector<512xf32>
    %reduce_sum3A_6 = vector.multi_reduction <add>, %mul3A_5, %reduce_sum3A [1] : vector<512x1024xf32> to vector<512xf32>
    %broadcast_in_dim3A = vector.shape_cast %reduce_sum3A_6 : vector<512xf32> to vector<512x1xf32>
    %logistic3A = arith.negf %broadcast_in_dim3A : vector<512x1xf32>
    %logistic3A_7 = math.exp %logistic3A : vector<512x1xf32>
    %logistic3A_8 = arith.constant 1.000000e+00 : f32
    %logistic3A_9 = vector.broadcast %logistic3A_8 : f32 to vector<512x1xf32>
    %logistic3A_10 = arith.addf %logistic3A_9, %logistic3A_7 : vector<512x1xf32>
    %logistic3A_11 = arith.divf %logistic3A_9, %logistic3A_10 : vector<512x1xf32>
    %get3A_12 = arith.constant 0 : index
    %get3A_13 = arith.constant 0 : index
    %get3A_14 = vector.load %arg3[%get3A_12, %get3A_13] : memref<1024x1024xf32, #tpu.memory_space<vmem>>, vector<1024x1024xf32>
    %dot_general3A = arith.constant dense<0.000000e+00> : vector<512x1024xf32>
    %dot_general3A_15 = tpu.matmul %get3A_1, %get3A_14, %dot_general3A {dimension_numbers = #tpu.dot_dimension_numbers<[1], [1], [0], [0], [0, 0, 1, 0], [], []>, transpose_lhs_hint = false} : vector<512x1024xf32>, vector<1024x1024xf32>, vector<512x1024xf32> -> vector<512x1024xf32>
    %get3A_16 = arith.constant 0 : index
    %get3A_17 = arith.constant 0 : index
    %get3A_18 = vector.load %arg4[%get3A_16, %get3A_17] : memref<1024x1024xf32, #tpu.memory_space<vmem>>, vector<1024x1024xf32>
    %dot_general3A_19 = arith.constant dense<0.000000e+00> : vector<512x1024xf32>
    %dot_general3A_20 = tpu.matmul %get3A_1, %get3A_18, %dot_general3A_19 {dimension_numbers = #tpu.dot_dimension_numbers<[1], [1], [0], [0], [0, 0, 1, 0], [], []>, transpose_lhs_hint = false} : vector<512x1024xf32>, vector<1024x1024xf32>, vector<512x1024xf32> -> vector<512x1024xf32>
    %logistic3A_21 = arith.negf %dot_general3A_15 : vector<512x1024xf32>
    %logistic3A_22 = math.exp %logistic3A_21 : vector<512x1024xf32>
    %logistic3A_23 = arith.constant 1.000000e+00 : f32
    %logistic3A_24 = vector.broadcast %logistic3A_23 : f32 to vector<512x1024xf32>
    %logistic3A_25 = arith.addf %logistic3A_24, %logistic3A_22 : vector<512x1024xf32>
    %logistic3A_26 = arith.divf %logistic3A_24, %logistic3A_25 : vector<512x1024xf32>
    %mul3A_27 = arith.mulf %dot_general3A_15, %logistic3A_26 : vector<512x1024xf32>
    %mul3A_28 = arith.mulf %mul3A_27, %dot_general3A_20 : vector<512x1024xf32>
    %mul3A_29 = arith.constant 0.707106769 : f32
    %mul3A_30 = vector.broadcast %mul3A_29 : f32 to vector<512x1xf32>
    %mul3A_31 = arith.mulf %logistic3A_11, %mul3A_30 : vector<512x1xf32>
    %get3A_32 = arith.constant 0 : index
    %get3A_33 = arith.constant 0 : index
    %get3A_34 = vector.load %arg5[%get3A_32, %get3A_33] : memref<1024x1024xf32, #tpu.memory_space<vmem>>, vector<1024x1024xf32>
    %dot_general3A_35 = arith.constant dense<0.000000e+00> : vector<512x1024xf32>
    %dot_general3A_36 = tpu.matmul %mul3A_28, %get3A_34, %dot_general3A_35 {dimension_numbers = #tpu.dot_dimension_numbers<[1], [1], [0], [0], [0, 0, 1, 0], [], []>, transpose_lhs_hint = false} : vector<512x1024xf32>, vector<1024x1024xf32>, vector<512x1024xf32> -> vector<512x1024xf32>
    %mul3A_37 = vector.broadcast %mul3A_31 : vector<512x1xf32> to vector<512x1024xf32>
    %mul3A_38 = arith.mulf %mul3A_37, %dot_general3A_36 : vector<512x1024xf32>
    %swap3A = arith.constant 0 : index
    %swap3A_39 = arith.constant 0 : index
    %swap3A_40 = vector.load %arg6[%swap3A, %swap3A_39] : memref<512x1024xf32, #tpu.memory_space<vmem>>, vector<512x1024xf32>
    tpu.vector_store %arg6[%swap3A, %swap3A_39], %mul3A_38 {strides = array<i32>} : memref<512x1024xf32, #tpu.memory_space<vmem>>, vector<512x1024xf32>,
    return
  }
  func.func @transform_0(%arg0: i32) -> (i32, i32) {
    %c0_i32 = arith.constant 0 : i32
    %c0_i32_0 = arith.constant 0 : i32
    return %arg0, %c0_i32 : i32, i32
  }
  func.func @transform_1(%arg0: i32) -> (i32, i32) {
    %c0_i32 = arith.constant 0 : i32
    %c0_i32_0 = arith.constant 0 : i32
    %c0_i32_1 = arith.constant 0 : i32
    return %c0_i32, %c0_i32_0 : i32, i32
  }
  func.func @transform_2(%arg0: i32) -> (i32, i32) {
    %c0_i32 = arith.constant 0 : i32
    %c0_i32_0 = arith.constant 0 : i32
    %c0_i32_1 = arith.constant 0 : i32
    return %c0_i32, %c0_i32_0 : i32, i32
  }
  func.func @transform_3(%arg0: i32) -> (i32, i32) {
    %c0_i32 = arith.constant 0 : i32
    %c0_i32_0 = arith.constant 0 : i32
    %c0_i32_1 = arith.constant 0 : i32
    return %c0_i32, %c0_i32_0 : i32, i32
  }
  func.func @transform_4(%arg0: i32) -> (i32, i32) {
    %c0_i32 = arith.constant 0 : i32
    %c0_i32_0 = arith.constant 0 : i32
    %c0_i32_1 = arith.constant 0 : i32
    return %c0_i32, %c0_i32_0 : i32, i32
  }
  func.func @transform_5(%arg0: i32) -> (i32, i32) {
    %c0_i32 = arith.constant 0 : i32
    %c0_i32_0 = arith.constant 0 : i32
    return %arg0, %c0_i32 : i32, i32
  }
}

module attributes {stable_mosaic.version = 14 : i64} {
  func.func @_group_body(%arg0: i32, %arg1: memref<24xi32, #tpu.memory_space<smem>>, %arg2: memref<256x1024xf32, #tpu.memory_space<vmem>>, %arg3: memref<1x1024x1024xf32, #tpu.memory_space<vmem>>, %arg4: memref<1x1024x1024xf32, #tpu.memory_space<vmem>>, %arg5: memref<1x1024x1024xf32, #tpu.memory_space<vmem>>, %arg6: memref<256x1024xf32, #tpu.memory_space<vmem>>) attributes {dimension_semantics = [#tpu.dimension_semantics<arbitrary>], iteration_bounds = array<i64: 24>, scalar_prefetch = 1 : i64, scratch_operands = 0 : i64, tpu.core_type = #tpu.core_type<tc>, window_params = [{transform_indices = @transform_0, window_bounds = array<i64: 256, 1024>}, {transform_indices = @transform_1, window_bounds = array<i64: 1, 1024, 1024>}, {transform_indices = @transform_2, window_bounds = array<i64: 1, 1024, 1024>}, {transform_indices = @transform_3, window_bounds = array<i64: 1, 1024, 1024>}, {transform_indices = @transform_4, window_bounds = array<i64: 256, 1024>}]} {
    %get3A = arith.index_cast %arg0 : i32 to index
    %get3A_0 = memref.load %arg1[%get3A] : memref<24xi32, #tpu.memory_space<smem>>
    %lt3A = arith.constant 8 : i32
    %lt3A_1 = arith.cmpi slt, %get3A_0, %lt3A : i32
    %convert_element_type3A = arith.extui %lt3A_1 : i1 to i32
    %cond3A = arith.constant 0 : i32
    %cond3A_2 = arith.cmpi ne, %convert_element_type3A, %cond3A : i32
    scf.if %cond3A_2 {
      %get3A_3 = arith.constant 0 : index
      %get3A_4 = arith.constant 0 : index
      %get3A_5 = vector.load %arg2[%get3A_3, %get3A_4] : memref<256x1024xf32, #tpu.memory_space<vmem>>, vector<256x1024xf32>
      %get3A_6 = arith.constant 0 : index
      %get3A_7 = arith.constant 0 : index
      %get3A_8 = arith.constant 0 : index
      %get3A_9 = vector.load %arg3[%get3A_6, %get3A_7, %get3A_8] : memref<1x1024x1024xf32, #tpu.memory_space<vmem>>, vector<1x1024x1024xf32>
      %get3A_10 = vector.shape_cast %get3A_9 : vector<1x1024x1024xf32> to vector<1024x1024xf32>
      %dot_general3A = arith.constant dense<0.000000e+00> : vector<256x1024xf32>
      %dot_general3A_11 = tpu.matmul %get3A_5, %get3A_10, %dot_general3A {dimension_numbers = #tpu.dot_dimension_numbers<[1], [1], [0], [0], [0, 0, 1, 0], [], []>, transpose_lhs_hint = false} : vector<256x1024xf32>, vector<1024x1024xf32>, vector<256x1024xf32> -> vector<256x1024xf32>
      %get3A_12 = arith.constant 0 : index
      %get3A_13 = arith.constant 0 : index
      %get3A_14 = arith.constant 0 : index
      %get3A_15 = vector.load %arg4[%get3A_12, %get3A_13, %get3A_14] : memref<1x1024x1024xf32, #tpu.memory_space<vmem>>, vector<1x1024x1024xf32>
      %get3A_16 = vector.shape_cast %get3A_15 : vector<1x1024x1024xf32> to vector<1024x1024xf32>
      %dot_general3A_17 = arith.constant dense<0.000000e+00> : vector<256x1024xf32>
      %dot_general3A_18 = tpu.matmul %get3A_5, %get3A_16, %dot_general3A_17 {dimension_numbers = #tpu.dot_dimension_numbers<[1], [1], [0], [0], [0, 0, 1, 0], [], []>, transpose_lhs_hint = false} : vector<256x1024xf32>, vector<1024x1024xf32>, vector<256x1024xf32> -> vector<256x1024xf32>
      %logistic3A = arith.negf %dot_general3A_11 : vector<256x1024xf32>
      %logistic3A_19 = math.exp %logistic3A : vector<256x1024xf32>
      %logistic3A_20 = arith.constant 1.000000e+00 : f32
      %logistic3A_21 = vector.broadcast %logistic3A_20 : f32 to vector<256x1024xf32>
      %logistic3A_22 = arith.addf %logistic3A_21, %logistic3A_19 : vector<256x1024xf32>
      %logistic3A_23 = arith.divf %logistic3A_21, %logistic3A_22 : vector<256x1024xf32>
      %mul3A = arith.mulf %dot_general3A_11, %logistic3A_23 : vector<256x1024xf32>
      %mul3A_24 = arith.mulf %mul3A, %dot_general3A_18 : vector<256x1024xf32>
      %get3A_25 = arith.constant 0 : index
      %get3A_26 = arith.constant 0 : index
      %get3A_27 = arith.constant 0 : index
      %get3A_28 = vector.load %arg5[%get3A_25, %get3A_26, %get3A_27] : memref<1x1024x1024xf32, #tpu.memory_space<vmem>>, vector<1x1024x1024xf32>
      %get3A_29 = vector.shape_cast %get3A_28 : vector<1x1024x1024xf32> to vector<1024x1024xf32>
      %dot_general3A_30 = arith.constant dense<0.000000e+00> : vector<256x1024xf32>
      %dot_general3A_31 = tpu.matmul %mul3A_24, %get3A_29, %dot_general3A_30 {dimension_numbers = #tpu.dot_dimension_numbers<[1], [1], [0], [0], [0, 0, 1, 0], [], []>, transpose_lhs_hint = false} : vector<256x1024xf32>, vector<1024x1024xf32>, vector<256x1024xf32> -> vector<256x1024xf32>
      %swap3A = arith.constant 0 : index
      %swap3A_32 = arith.constant 0 : index
      %swap3A_33 = vector.load %arg6[%swap3A, %swap3A_32] : memref<256x1024xf32, #tpu.memory_space<vmem>>, vector<256x1024xf32>
      tpu.vector_store %arg6[%swap3A, %swap3A_32], %dot_general3A_31 {strides = array<i32>} : memref<256x1024xf32, #tpu.memory_space<vmem>>, vector<256x1024xf32>,
    } else {
    }
    return
  }
  func.func @transform_0(%arg0: i32, %arg1: memref<24xi32, #tpu.memory_space<smem>>) -> (i32, i32) {
    %c0_i32 = arith.constant 0 : i32
    %c0_i32_0 = arith.constant 0 : i32
    return %arg0, %c0_i32 : i32, i32
  }
  func.func @transform_1(%arg0: i32, %arg1: memref<24xi32, #tpu.memory_space<smem>>) -> (i32, i32, i32) {
    %get3A = arith.index_cast %arg0 : i32 to index
    %get3A_0 = memref.load %arg1[%get3A] : memref<24xi32, #tpu.memory_space<smem>>
    %min3A = arith.constant 7 : i32
    %min3A_1 = arith.minsi %get3A_0, %min3A : i32
    %c0_i32 = arith.constant 0 : i32
    %c0_i32_2 = arith.constant 0 : i32
    %c0_i32_3 = arith.constant 0 : i32
    return %min3A_1, %c0_i32, %c0_i32_2 : i32, i32, i32
  }
  func.func @transform_2(%arg0: i32, %arg1: memref<24xi32, #tpu.memory_space<smem>>) -> (i32, i32, i32) {
    %get3A = arith.index_cast %arg0 : i32 to index
    %get3A_0 = memref.load %arg1[%get3A] : memref<24xi32, #tpu.memory_space<smem>>
    %min3A = arith.constant 7 : i32
    %min3A_1 = arith.minsi %get3A_0, %min3A : i32
    %c0_i32 = arith.constant 0 : i32
    %c0_i32_2 = arith.constant 0 : i32
    %c0_i32_3 = arith.constant 0 : i32
    return %min3A_1, %c0_i32, %c0_i32_2 : i32, i32, i32
  }
  func.func @transform_3(%arg0: i32, %arg1: memref<24xi32, #tpu.memory_space<smem>>) -> (i32, i32, i32) {
    %get3A = arith.index_cast %arg0 : i32 to index
    %get3A_0 = memref.load %arg1[%get3A] : memref<24xi32, #tpu.memory_space<smem>>
    %min3A = arith.constant 7 : i32
    %min3A_1 = arith.minsi %get3A_0, %min3A : i32
    %c0_i32 = arith.constant 0 : i32
    %c0_i32_2 = arith.constant 0 : i32
    %c0_i32_3 = arith.constant 0 : i32
    return %min3A_1, %c0_i32, %c0_i32_2 : i32, i32, i32
  }
  func.func @transform_4(%arg0: i32, %arg1: memref<24xi32, #tpu.memory_space<smem>>) -> (i32, i32) {
    %c0_i32 = arith.constant 0 : i32
    %c0_i32_0 = arith.constant 0 : i32
    return %arg0, %c0_i32 : i32, i32
  }
}

module attributes {stable_mosaic.version = 14 : i64} {
  func.func @_route_body(%arg0: memref<2048x1024xf32, #tpu.memory_space<vmem>>, %arg1: memref<8x1024xf32, #tpu.memory_space<vmem>>, %arg2: memref<2048x1xi32, #tpu.memory_space<vmem>>, %arg3: memref<2048x1xi32, #tpu.memory_space<vmem>>, %arg4: memref<2048x16xf32, #tpu.memory_space<vmem>>, %arg5: memref<2048x16xf32, #tpu.memory_space<vmem>>, %arg6: memref<1x24xi32, #tpu.memory_space<vmem>>) attributes {dimension_semantics = [], scalar_prefetch = 0 : i64, scratch_operands = 0 : i64, tpu.core_type = #tpu.core_type<tc>} {
    %get3A = arith.constant 0 : index
    %get3A_0 = arith.constant 0 : index
    %get3A_1 = vector.load %arg0[%get3A, %get3A_0] : memref<2048x1024xf32, #tpu.memory_space<vmem>>, vector<2048x1024xf32>
    %get3A_2 = arith.constant 0 : index
    %get3A_3 = arith.constant 0 : index
    %get3A_4 = vector.load %arg1[%get3A_2, %get3A_3] : memref<8x1024xf32, #tpu.memory_space<vmem>>, vector<8x1024xf32>
    %dot_general3A = arith.constant dense<0.000000e+00> : vector<2048x8xf32>
    %dot_general3A_5 = tpu.matmul %get3A_1, %get3A_4, %dot_general3A {dimension_numbers = #tpu.dot_dimension_numbers<[1], [1], [0], [0], [0, 0, 1, 0], [], []>, transpose_lhs_hint = false} : vector<2048x1024xf32>, vector<8x1024xf32>, vector<2048x8xf32> -> vector<2048x8xf32>
    %reduce_max3A = arith.constant dense<0xFF800000> : vector<2048xf32>
    %reduce_max3A_6 = vector.multi_reduction <maximumf>, %dot_general3A_5, %reduce_max3A [1] : vector<2048x8xf32> to vector<2048xf32>
    %max3A = arith.constant 0xFF800000 : f32
    %max3A_7 = vector.broadcast %max3A : f32 to vector<2048xf32>
    %max3A_8 = arith.maximumf %max3A_7, %reduce_max3A_6 : vector<2048xf32>
    %broadcast_in_dim3A = vector.shape_cast %max3A_8 : vector<2048xf32> to vector<2048x1xf32>
    %sub3A = vector.broadcast %broadcast_in_dim3A : vector<2048x1xf32> to vector<2048x8xf32>
    %sub3A_9 = arith.subf %dot_general3A_5, %sub3A : vector<2048x8xf32>
    %exp3A = math.exp %sub3A_9 : vector<2048x8xf32>
    %reduce_sum3A = arith.constant dense<0.000000e+00> : vector<2048xf32>
    %reduce_sum3A_10 = vector.multi_reduction <add>, %exp3A, %reduce_sum3A [1] : vector<2048x8xf32> to vector<2048xf32>
    %broadcast_in_dim3A_11 = vector.shape_cast %reduce_sum3A_10 : vector<2048xf32> to vector<2048x1xf32>
    %div3A = vector.broadcast %broadcast_in_dim3A_11 : vector<2048x1xf32> to vector<2048x8xf32>
    %div3A_12 = arith.divf %exp3A, %div3A : vector<2048x8xf32>
    %reduce_max3A_13 = arith.constant dense<0xFF800000> : vector<2048xf32>
    %reduce_max3A_14 = vector.multi_reduction <maximumf>, %div3A_12, %reduce_max3A_13 [1] : vector<2048x8xf32> to vector<2048xf32>
    %broadcast_in_dim3A_15 = vector.shape_cast %reduce_max3A_14 : vector<2048xf32> to vector<2048x1xf32>
    %ge3A = vector.broadcast %broadcast_in_dim3A_15 : vector<2048x1xf32> to vector<2048x8xf32>
    %ge3A_16 = arith.cmpf oge, %div3A_12, %ge3A : vector<2048x8xf32>
    %jit3A = arith.constant 0xFF800000 : f32
    %broadcast_in_dim3A_17 = vector.broadcast %jit3A : f32 to vector<2048x8xf32>
    %select_n3A = arith.select %ge3A_16, %broadcast_in_dim3A_17, %div3A_12 : vector<2048x8xi1>, vector<2048x8xf32>
    %reduce_max3A_18 = arith.constant dense<0xFF800000> : vector<2048xf32>
    %reduce_max3A_19 = vector.multi_reduction <maximumf>, %select_n3A, %reduce_max3A_18 [1] : vector<2048x8xf32> to vector<2048xf32>
    %broadcast_in_dim3A_20 = vector.shape_cast %reduce_max3A_19 : vector<2048xf32> to vector<2048x1xf32>
    %ge3A_21 = vector.broadcast %broadcast_in_dim3A_20 : vector<2048x1xf32> to vector<2048x8xf32>
    %ge3A_22 = arith.cmpf oge, %div3A_12, %ge3A_21 : vector<2048x8xf32>
    %jit3A_23 = arith.constant 0.000000e+00 : f32
    %broadcast_in_dim3A_24 = vector.broadcast %jit3A_23 : f32 to vector<2048x8xf32>
    %select_n3A_25 = arith.select %ge3A_22, %div3A_12, %broadcast_in_dim3A_24 : vector<2048x8xi1>, vector<2048x8xf32>
    %reduce_sum3A_26 = arith.constant dense<0.000000e+00> : vector<2048xf32>
    %reduce_sum3A_27 = vector.multi_reduction <add>, %select_n3A_25, %reduce_sum3A_26 [1] : vector<2048x8xf32> to vector<2048xf32>
    %broadcast_in_dim3A_28 = vector.shape_cast %reduce_sum3A_27 : vector<2048xf32> to vector<2048x1xf32>
    %div3A_29 = vector.broadcast %broadcast_in_dim3A_28 : vector<2048x1xf32> to vector<2048x8xf32>
    %div3A_30 = arith.divf %select_n3A_25, %div3A_29 : vector<2048x8xf32>
    %iota3A = tpu.iota {dimensions = array<i32: 1>} : vector<2048x8xi32>
    %jit3A_31 = arith.constant 8 : i32
    %broadcast_in_dim3A_32 = vector.broadcast %jit3A_31 : i32 to vector<2048x8xi32>
    %select_n3A_33 = arith.select %ge3A_22, %iota3A, %broadcast_in_dim3A_32 : vector<2048x8xi1>, vector<2048x8xi32>
    %reduce_min3A = arith.constant dense<2147483647> : vector<2048xi32>
    %reduce_min3A_34 = vector.multi_reduction <minsi>, %select_n3A_33, %reduce_min3A [1] : vector<2048x8xi32> to vector<2048xi32>
    %broadcast_in_dim3A_35 = vector.shape_cast %reduce_min3A_34 : vector<2048xi32> to vector<2048x1xi32>
    %jit3A_36 = arith.constant -1 : i32
    %broadcast_in_dim3A_37 = vector.broadcast %jit3A_36 : i32 to vector<2048x8xi32>
    %select_n3A_38 = arith.select %ge3A_22, %iota3A, %broadcast_in_dim3A_37 : vector<2048x8xi1>, vector<2048x8xi32>
    %reduce_max3A_39 = arith.constant dense<-2147483648> : vector<2048xi32>
    %reduce_max3A_40 = vector.multi_reduction <maxsi>, %select_n3A_38, %reduce_max3A_39 [1] : vector<2048x8xi32> to vector<2048xi32>
    %broadcast_in_dim3A_41 = vector.shape_cast %reduce_max3A_40 : vector<2048xi32> to vector<2048x1xi32>
    %eq3A = vector.broadcast %broadcast_in_dim3A_35 : vector<2048x1xi32> to vector<2048x8xi32>
    %eq3A_42 = arith.cmpi eq, %iota3A, %eq3A : vector<2048x8xi32>
    %jit3A_43 = arith.constant 0.000000e+00 : f32
    %broadcast_in_dim3A_44 = vector.broadcast %jit3A_43 : f32 to vector<2048x8xf32>
    %select_n3A_45 = arith.select %eq3A_42, %div3A_30, %broadcast_in_dim3A_44 : vector<2048x8xi1>, vector<2048x8xf32>
    %reduce_sum3A_46 = arith.constant dense<0.000000e+00> : vector<2048xf32>
    %reduce_sum3A_47 = vector.multi_reduction <add>, %select_n3A_45, %reduce_sum3A_46 [1] : vector<2048x8xf32> to vector<2048xf32>
    %broadcast_in_dim3A_48 = vector.shape_cast %reduce_sum3A_47 : vector<2048xf32> to vector<2048x1xf32>
    %eq3A_49 = vector.broadcast %broadcast_in_dim3A_41 : vector<2048x1xi32> to vector<2048x8xi32>
    %eq3A_50 = arith.cmpi eq, %iota3A, %eq3A_49 : vector<2048x8xi32>
    %jit3A_51 = arith.constant 0.000000e+00 : f32
    %broadcast_in_dim3A_52 = vector.broadcast %jit3A_51 : f32 to vector<2048x8xf32>
    %select_n3A_53 = arith.select %eq3A_50, %div3A_30, %broadcast_in_dim3A_52 : vector<2048x8xi1>, vector<2048x8xf32>
    %reduce_sum3A_54 = arith.constant dense<0.000000e+00> : vector<2048xf32>
    %reduce_sum3A_55 = vector.multi_reduction <add>, %select_n3A_53, %reduce_sum3A_54 [1] : vector<2048x8xf32> to vector<2048xf32>
    %broadcast_in_dim3A_56 = vector.shape_cast %reduce_sum3A_55 : vector<2048xf32> to vector<2048x1xf32>
    %mul3A = arith.constant 0.707106769 : f32
    %mul3A_57 = vector.broadcast %mul3A : f32 to vector<2048x1xf32>
    %mul3A_58 = arith.mulf %broadcast_in_dim3A_48, %mul3A_57 : vector<2048x1xf32>
    %broadcast_in_dim3A_59 = arith.constant 1.000000e+00 : f32
    %broadcast_in_dim3A_60 = vector.broadcast %broadcast_in_dim3A_59 : f32 to vector<1x16xf32>
    %mul3A_61 = vector.broadcast %mul3A_58 : vector<2048x1xf32> to vector<2048x16xf32>
    %mul3A_62 = vector.broadcast %broadcast_in_dim3A_60 : vector<1x16xf32> to vector<2048x16xf32>
    %mul3A_63 = arith.mulf %mul3A_61, %mul3A_62 : vector<2048x16xf32>
    %swap3A = arith.constant 0 : index
    %swap3A_64 = arith.constant 0 : index
    %swap3A_65 = vector.load %arg4[%swap3A, %swap3A_64] : memref<2048x16xf32, #tpu.memory_space<vmem>>, vector<2048x16xf32>
    tpu.vector_store %arg4[%swap3A, %swap3A_64], %mul3A_63 {strides = array<i32>} : memref<2048x16xf32, #tpu.memory_space<vmem>>, vector<2048x16xf32>,
    %mul3A_66 = arith.constant 0.707106769 : f32
    %mul3A_67 = vector.broadcast %mul3A_66 : f32 to vector<2048x1xf32>
    %mul3A_68 = arith.mulf %broadcast_in_dim3A_56, %mul3A_67 : vector<2048x1xf32>
    %broadcast_in_dim3A_69 = arith.constant 1.000000e+00 : f32
    %broadcast_in_dim3A_70 = vector.broadcast %broadcast_in_dim3A_69 : f32 to vector<1x16xf32>
    %mul3A_71 = vector.broadcast %mul3A_68 : vector<2048x1xf32> to vector<2048x16xf32>
    %mul3A_72 = vector.broadcast %broadcast_in_dim3A_70 : vector<1x16xf32> to vector<2048x16xf32>
    %mul3A_73 = arith.mulf %mul3A_71, %mul3A_72 : vector<2048x16xf32>
    %swap3A_74 = arith.constant 0 : index
    %swap3A_75 = arith.constant 0 : index
    %swap3A_76 = vector.load %arg5[%swap3A_74, %swap3A_75] : memref<2048x16xf32, #tpu.memory_space<vmem>>, vector<2048x16xf32>
    tpu.vector_store %arg5[%swap3A_74, %swap3A_75], %mul3A_73 {strides = array<i32>} : memref<2048x16xf32, #tpu.memory_space<vmem>>, vector<2048x16xf32>,
    %convert_element_type3A = arith.extui %ge3A_22 : vector<2048x8xi1> to vector<2048x8xi32>
    %convert_element_type3A_77 = arith.sitofp %convert_element_type3A : vector<2048x8xi32> to vector<2048x8xf32>
    %broadcast_in_dim3A_78 = arith.constant 0.000000e+00 : f32
    %broadcast_in_dim3A_79 = vector.broadcast %broadcast_in_dim3A_78 : f32 to vector<1x8xf32>
    %slice3A = vector.extract_strided_slice %convert_element_type3A_77 {offsets = [0, 0], sizes = [2047, 8], strides = [1, 1]} : vector<2048x8xf32> to vector<2047x8xf32>
    %concatenate3A = tpu.concatenate %broadcast_in_dim3A_79, %slice3A in 0 : vector<1x8xf32>, vector<2047x8xf32> -> vector<2048x8xf32>
    %add3A = arith.addf %convert_element_type3A_77, %concatenate3A : vector<2048x8xf32>
    %broadcast_in_dim3A_80 = arith.constant 0.000000e+00 : f32
    %broadcast_in_dim3A_81 = vector.broadcast %broadcast_in_dim3A_80 : f32 to vector<2x8xf32>
    %slice3A_82 = vector.extract_strided_slice %add3A {offsets = [0, 0], sizes = [2046, 8], strides = [1, 1]} : vector<2048x8xf32> to vector<2046x8xf32>
    %concatenate3A_83 = tpu.concatenate %broadcast_in_dim3A_81, %slice3A_82 in 0 : vector<2x8xf32>, vector<2046x8xf32> -> vector<2048x8xf32>
    %add3A_84 = arith.addf %add3A, %concatenate3A_83 : vector<2048x8xf32>
    %broadcast_in_dim3A_85 = arith.constant 0.000000e+00 : f32
    %broadcast_in_dim3A_86 = vector.broadcast %broadcast_in_dim3A_85 : f32 to vector<4x8xf32>
    %slice3A_87 = vector.extract_strided_slice %add3A_84 {offsets = [0, 0], sizes = [2044, 8], strides = [1, 1]} : vector<2048x8xf32> to vector<2044x8xf32>
    %concatenate3A_88 = tpu.concatenate %broadcast_in_dim3A_86, %slice3A_87 in 0 : vector<4x8xf32>, vector<2044x8xf32> -> vector<2048x8xf32>
    %add3A_89 = arith.addf %add3A_84, %concatenate3A_88 : vector<2048x8xf32>
    %broadcast_in_dim3A_90 = arith.constant 0.000000e+00 : f32
    %broadcast_in_dim3A_91 = vector.broadcast %broadcast_in_dim3A_90 : f32 to vector<8x8xf32>
    %slice3A_92 = vector.extract_strided_slice %add3A_89 {offsets = [0, 0], sizes = [2040, 8], strides = [1, 1]} : vector<2048x8xf32> to vector<2040x8xf32>
    %concatenate3A_93 = tpu.concatenate %broadcast_in_dim3A_91, %slice3A_92 in 0 : vector<8x8xf32>, vector<2040x8xf32> -> vector<2048x8xf32>
    %add3A_94 = arith.addf %add3A_89, %concatenate3A_93 : vector<2048x8xf32>
    %broadcast_in_dim3A_95 = arith.constant 0.000000e+00 : f32
    %broadcast_in_dim3A_96 = vector.broadcast %broadcast_in_dim3A_95 : f32 to vector<16x8xf32>
    %slice3A_97 = vector.extract_strided_slice %add3A_94 {offsets = [0, 0], sizes = [2032, 8], strides = [1, 1]} : vector<2048x8xf32> to vector<2032x8xf32>
    %concatenate3A_98 = tpu.concatenate %broadcast_in_dim3A_96, %slice3A_97 in 0 : vector<16x8xf32>, vector<2032x8xf32> -> vector<2048x8xf32>
    %add3A_99 = arith.addf %add3A_94, %concatenate3A_98 : vector<2048x8xf32>
    %broadcast_in_dim3A_100 = arith.constant 0.000000e+00 : f32
    %broadcast_in_dim3A_101 = vector.broadcast %broadcast_in_dim3A_100 : f32 to vector<32x8xf32>
    %slice3A_102 = vector.extract_strided_slice %add3A_99 {offsets = [0, 0], sizes = [2016, 8], strides = [1, 1]} : vector<2048x8xf32> to vector<2016x8xf32>
    %concatenate3A_103 = tpu.concatenate %broadcast_in_dim3A_101, %slice3A_102 in 0 : vector<32x8xf32>, vector<2016x8xf32> -> vector<2048x8xf32>
    %add3A_104 = arith.addf %add3A_99, %concatenate3A_103 : vector<2048x8xf32>
    %broadcast_in_dim3A_105 = arith.constant 0.000000e+00 : f32
    %broadcast_in_dim3A_106 = vector.broadcast %broadcast_in_dim3A_105 : f32 to vector<64x8xf32>
    %slice3A_107 = vector.extract_strided_slice %add3A_104 {offsets = [0, 0], sizes = [1984, 8], strides = [1, 1]} : vector<2048x8xf32> to vector<1984x8xf32>
    %concatenate3A_108 = tpu.concatenate %broadcast_in_dim3A_106, %slice3A_107 in 0 : vector<64x8xf32>, vector<1984x8xf32> -> vector<2048x8xf32>
    %add3A_109 = arith.addf %add3A_104, %concatenate3A_108 : vector<2048x8xf32>
    %broadcast_in_dim3A_110 = arith.constant 0.000000e+00 : f32
    %broadcast_in_dim3A_111 = vector.broadcast %broadcast_in_dim3A_110 : f32 to vector<128x8xf32>
    %slice3A_112 = vector.extract_strided_slice %add3A_109 {offsets = [0, 0], sizes = [1920, 8], strides = [1, 1]} : vector<2048x8xf32> to vector<1920x8xf32>
    %concatenate3A_113 = tpu.concatenate %broadcast_in_dim3A_111, %slice3A_112 in 0 : vector<128x8xf32>, vector<1920x8xf32> -> vector<2048x8xf32>
    %add3A_114 = arith.addf %add3A_109, %concatenate3A_113 : vector<2048x8xf32>
    %broadcast_in_dim3A_115 = arith.constant 0.000000e+00 : f32
    %broadcast_in_dim3A_116 = vector.broadcast %broadcast_in_dim3A_115 : f32 to vector<256x8xf32>
    %slice3A_117 = vector.extract_strided_slice %add3A_114 {offsets = [0, 0], sizes = [1792, 8], strides = [1, 1]} : vector<2048x8xf32> to vector<1792x8xf32>
    %concatenate3A_118 = tpu.concatenate %broadcast_in_dim3A_116, %slice3A_117 in 0 : vector<256x8xf32>, vector<1792x8xf32> -> vector<2048x8xf32>
    %add3A_119 = arith.addf %add3A_114, %concatenate3A_118 : vector<2048x8xf32>
    %broadcast_in_dim3A_120 = arith.constant 0.000000e+00 : f32
    %broadcast_in_dim3A_121 = vector.broadcast %broadcast_in_dim3A_120 : f32 to vector<512x8xf32>
    %slice3A_122 = vector.extract_strided_slice %add3A_119 {offsets = [0, 0], sizes = [1536, 8], strides = [1, 1]} : vector<2048x8xf32> to vector<1536x8xf32>
    %concatenate3A_123 = tpu.concatenate %broadcast_in_dim3A_121, %slice3A_122 in 0 : vector<512x8xf32>, vector<1536x8xf32> -> vector<2048x8xf32>
    %add3A_124 = arith.addf %add3A_119, %concatenate3A_123 : vector<2048x8xf32>
    %broadcast_in_dim3A_125 = arith.constant 0.000000e+00 : f32
    %broadcast_in_dim3A_126 = vector.broadcast %broadcast_in_dim3A_125 : f32 to vector<1024x8xf32>
    %slice3A_127 = vector.extract_strided_slice %add3A_124 {offsets = [0, 0], sizes = [1024, 8], strides = [1, 1]} : vector<2048x8xf32> to vector<1024x8xf32>
    %concatenate3A_128 = tpu.concatenate %broadcast_in_dim3A_126, %slice3A_127 in 0 : vector<1024x8xf32>, vector<1024x8xf32> -> vector<2048x8xf32>
    %add3A_129 = arith.addf %add3A_124, %concatenate3A_128 : vector<2048x8xf32>
    %sub3A_130 = arith.subf %add3A_129, %convert_element_type3A_77 : vector<2048x8xf32>
    %reduce_sum3A_131 = arith.constant dense<0.000000e+00> : vector<8xf32>
    %reduce_sum3A_132 = vector.multi_reduction <add>, %convert_element_type3A_77, %reduce_sum3A_131 [0] : vector<2048x8xf32> to vector<8xf32>
    %broadcast_in_dim3A_133 = vector.shape_cast %reduce_sum3A_132 : vector<8xf32> to vector<1x8xf32>
    %mul3A_134 = arith.constant 3.906250e-03 : f32
    %mul3A_135 = vector.broadcast %mul3A_134 : f32 to vector<1x8xf32>
    %mul3A_136 = arith.mulf %broadcast_in_dim3A_133, %mul3A_135 : vector<1x8xf32>
    %ceil3A = math.ceil %mul3A_136 : vector<1x8xf32>
    %mul3A_137 = arith.constant 2.560000e+02 : f32
    %mul3A_138 = vector.broadcast %mul3A_137 : f32 to vector<1x8xf32>
    %mul3A_139 = arith.mulf %ceil3A, %mul3A_138 : vector<1x8xf32>
    %broadcast_in_dim3A_140 = arith.constant 0.000000e+00 : f32
    %broadcast_in_dim3A_141 = vector.broadcast %broadcast_in_dim3A_140 : f32 to vector<1x1xf32>
    %slice3A_142 = vector.extract_strided_slice %mul3A_139 {offsets = [0, 0], sizes = [1, 1], strides = [1, 1]} : vector<1x8xf32> to vector<1x1xf32>
    %add3A_143 = arith.addf %broadcast_in_dim3A_141, %slice3A_142 : vector<1x1xf32>
    %slice3A_144 = vector.extract_strided_slice %mul3A_139 {offsets = [0, 1], sizes = [1, 1], strides = [1, 1]} : vector<1x8xf32> to vector<1x1xf32>
    %add3A_145 = arith.addf %add3A_143, %slice3A_144 : vector<1x1xf32>
    %slice3A_146 = vector.extract_strided_slice %mul3A_139 {offsets = [0, 2], sizes = [1, 1], strides = [1, 1]} : vector<1x8xf32> to vector<1x1xf32>
    %add3A_147 = arith.addf %add3A_145, %slice3A_146 : vector<1x1xf32>
    %slice3A_148 = vector.extract_strided_slice %mul3A_139 {offsets = [0, 3], sizes = [1, 1], strides = [1, 1]} : vector<1x8xf32> to vector<1x1xf32>
    %add3A_149 = arith.addf %add3A_147, %slice3A_148 : vector<1x1xf32>
    %slice3A_150 = vector.extract_strided_slice %mul3A_139 {offsets = [0, 4], sizes = [1, 1], strides = [1, 1]} : vector<1x8xf32> to vector<1x1xf32>
    %add3A_151 = arith.addf %add3A_149, %slice3A_150 : vector<1x1xf32>
    %slice3A_152 = vector.extract_strided_slice %mul3A_139 {offsets = [0, 5], sizes = [1, 1], strides = [1, 1]} : vector<1x8xf32> to vector<1x1xf32>
    %add3A_153 = arith.addf %add3A_151, %slice3A_152 : vector<1x1xf32>
    %slice3A_154 = vector.extract_strided_slice %mul3A_139 {offsets = [0, 6], sizes = [1, 1], strides = [1, 1]} : vector<1x8xf32> to vector<1x1xf32>
    %add3A_155 = arith.addf %add3A_153, %slice3A_154 : vector<1x1xf32>
    %concatenate3A_156 = tpu.concatenate %broadcast_in_dim3A_141, %add3A_143, %add3A_145, %add3A_147, %add3A_149, %add3A_151, %add3A_153, %add3A_155 in 1 : vector<1x1xf32>, vector<1x1xf32>, vector<1x1xf32>, vector<1x1xf32>, vector<1x1xf32>, vector<1x1xf32>, vector<1x1xf32>, vector<1x1xf32> -> vector<1x8xf32>
    %add3A_157 = vector.broadcast %concatenate3A_156 : vector<1x8xf32> to vector<2048x8xf32>
    %add3A_158 = arith.addf %add3A_157, %sub3A_130 : vector<2048x8xf32>
    %eq3A_159 = vector.broadcast %broadcast_in_dim3A_35 : vector<2048x1xi32> to vector<2048x8xi32>
    %eq3A_160 = arith.cmpi eq, %iota3A, %eq3A_159 : vector<2048x8xi32>
    %jit3A_161 = arith.constant 0.000000e+00 : f32
    %broadcast_in_dim3A_162 = vector.broadcast %jit3A_161 : f32 to vector<2048x8xf32>
    %select_n3A_163 = arith.select %eq3A_160, %add3A_158, %broadcast_in_dim3A_162 : vector<2048x8xi1>, vector<2048x8xf32>
    %reduce_sum3A_164 = arith.constant dense<0.000000e+00> : vector<2048xf32>
    %reduce_sum3A_165 = vector.multi_reduction <add>, %select_n3A_163, %reduce_sum3A_164 [1] : vector<2048x8xf32> to vector<2048xf32>
    %broadcast_in_dim3A_166 = vector.shape_cast %reduce_sum3A_165 : vector<2048xf32> to vector<2048x1xf32>
    %eq3A_167 = vector.broadcast %broadcast_in_dim3A_41 : vector<2048x1xi32> to vector<2048x8xi32>
    %eq3A_168 = arith.cmpi eq, %iota3A, %eq3A_167 : vector<2048x8xi32>
    %jit3A_169 = arith.constant 0.000000e+00 : f32
    %broadcast_in_dim3A_170 = vector.broadcast %jit3A_169 : f32 to vector<2048x8xf32>
    %select_n3A_171 = arith.select %eq3A_168, %add3A_158, %broadcast_in_dim3A_170 : vector<2048x8xi1>, vector<2048x8xf32>
    %reduce_sum3A_172 = arith.constant dense<0.000000e+00> : vector<2048xf32>
    %reduce_sum3A_173 = vector.multi_reduction <add>, %select_n3A_171, %reduce_sum3A_172 [1] : vector<2048x8xf32> to vector<2048xf32>
    %broadcast_in_dim3A_174 = vector.shape_cast %reduce_sum3A_173 : vector<2048xf32> to vector<2048x1xf32>
    %convert_element_type3A_175 = arith.fptosi %broadcast_in_dim3A_166 : vector<2048x1xf32> to vector<2048x1xi32>
    %swap3A_176 = arith.constant 0 : index
    %swap3A_177 = arith.constant 0 : index
    %swap3A_178 = vector.load %arg2[%swap3A_176, %swap3A_177] : memref<2048x1xi32, #tpu.memory_space<vmem>>, vector<2048x1xi32>
    tpu.vector_store %arg2[%swap3A_176, %swap3A_177], %convert_element_type3A_175 {strides = array<i32>} : memref<2048x1xi32, #tpu.memory_space<vmem>>, vector<2048x1xi32>,
    %convert_element_type3A_179 = arith.fptosi %broadcast_in_dim3A_174 : vector<2048x1xf32> to vector<2048x1xi32>
    %swap3A_180 = arith.constant 0 : index
    %swap3A_181 = arith.constant 0 : index
    %swap3A_182 = vector.load %arg3[%swap3A_180, %swap3A_181] : memref<2048x1xi32, #tpu.memory_space<vmem>>, vector<2048x1xi32>
    tpu.vector_store %arg3[%swap3A_180, %swap3A_181], %convert_element_type3A_179 {strides = array<i32>} : memref<2048x1xi32, #tpu.memory_space<vmem>>, vector<2048x1xi32>,
    %add3A_183 = arith.addf %concatenate3A_156, %mul3A_139 : vector<1x8xf32>
    %iota3A_184 = tpu.iota {dimensions = array<i32: 1>} : vector<1x24xi32>
    %convert_element_type3A_185 = arith.sitofp %iota3A_184 : vector<1x24xi32> to vector<1x24xf32>
    %mul3A_186 = arith.constant 2.560000e+02 : f32
    %mul3A_187 = vector.broadcast %mul3A_186 : f32 to vector<1x24xf32>
    %mul3A_188 = arith.mulf %convert_element_type3A_185, %mul3A_187 : vector<1x24xf32>
    %broadcast_in_dim3A_189 = arith.constant 0.000000e+00 : f32
    %broadcast_in_dim3A_190 = vector.broadcast %broadcast_in_dim3A_189 : f32 to vector<1x24xf32>
    %slice3A_191 = vector.extract_strided_slice %add3A_183 {offsets = [0, 0], sizes = [1, 1], strides = [1, 1]} : vector<1x8xf32> to vector<1x1xf32>
    %ge3A_192 = vector.broadcast %slice3A_191 : vector<1x1xf32> to vector<1x24xf32>
    %ge3A_193 = arith.cmpf oge, %mul3A_188, %ge3A_192 : vector<1x24xf32>
    %convert_element_type3A_194 = arith.extui %ge3A_193 : vector<1x24xi1> to vector<1x24xi32>
    %convert_element_type3A_195 = arith.sitofp %convert_element_type3A_194 : vector<1x24xi32> to vector<1x24xf32>
    %add3A_196 = arith.addf %broadcast_in_dim3A_190, %convert_element_type3A_195 : vector<1x24xf32>
    %slice3A_197 = vector.extract_strided_slice %add3A_183 {offsets = [0, 1], sizes = [1, 1], strides = [1, 1]} : vector<1x8xf32> to vector<1x1xf32>
    %ge3A_198 = vector.broadcast %slice3A_197 : vector<1x1xf32> to vector<1x24xf32>
    %ge3A_199 = arith.cmpf oge, %mul3A_188, %ge3A_198 : vector<1x24xf32>
    %convert_element_type3A_200 = arith.extui %ge3A_199 : vector<1x24xi1> to vector<1x24xi32>
    %convert_element_type3A_201 = arith.sitofp %convert_element_type3A_200 : vector<1x24xi32> to vector<1x24xf32>
    %add3A_202 = arith.addf %add3A_196, %convert_element_type3A_201 : vector<1x24xf32>
    %slice3A_203 = vector.extract_strided_slice %add3A_183 {offsets = [0, 2], sizes = [1, 1], strides = [1, 1]} : vector<1x8xf32> to vector<1x1xf32>
    %ge3A_204 = vector.broadcast %slice3A_203 : vector<1x1xf32> to vector<1x24xf32>
    %ge3A_205 = arith.cmpf oge, %mul3A_188, %ge3A_204 : vector<1x24xf32>
    %convert_element_type3A_206 = arith.extui %ge3A_205 : vector<1x24xi1> to vector<1x24xi32>
    %convert_element_type3A_207 = arith.sitofp %convert_element_type3A_206 : vector<1x24xi32> to vector<1x24xf32>
    %add3A_208 = arith.addf %add3A_202, %convert_element_type3A_207 : vector<1x24xf32>
    %slice3A_209 = vector.extract_strided_slice %add3A_183 {offsets = [0, 3], sizes = [1, 1], strides = [1, 1]} : vector<1x8xf32> to vector<1x1xf32>
    %ge3A_210 = vector.broadcast %slice3A_209 : vector<1x1xf32> to vector<1x24xf32>
    %ge3A_211 = arith.cmpf oge, %mul3A_188, %ge3A_210 : vector<1x24xf32>
    %convert_element_type3A_212 = arith.extui %ge3A_211 : vector<1x24xi1> to vector<1x24xi32>
    %convert_element_type3A_213 = arith.sitofp %convert_element_type3A_212 : vector<1x24xi32> to vector<1x24xf32>
    %add3A_214 = arith.addf %add3A_208, %convert_element_type3A_213 : vector<1x24xf32>
    %slice3A_215 = vector.extract_strided_slice %add3A_183 {offsets = [0, 4], sizes = [1, 1], strides = [1, 1]} : vector<1x8xf32> to vector<1x1xf32>
    %ge3A_216 = vector.broadcast %slice3A_215 : vector<1x1xf32> to vector<1x24xf32>
    %ge3A_217 = arith.cmpf oge, %mul3A_188, %ge3A_216 : vector<1x24xf32>
    %convert_element_type3A_218 = arith.extui %ge3A_217 : vector<1x24xi1> to vector<1x24xi32>
    %convert_element_type3A_219 = arith.sitofp %convert_element_type3A_218 : vector<1x24xi32> to vector<1x24xf32>
    %add3A_220 = arith.addf %add3A_214, %convert_element_type3A_219 : vector<1x24xf32>
    %slice3A_221 = vector.extract_strided_slice %add3A_183 {offsets = [0, 5], sizes = [1, 1], strides = [1, 1]} : vector<1x8xf32> to vector<1x1xf32>
    %ge3A_222 = vector.broadcast %slice3A_221 : vector<1x1xf32> to vector<1x24xf32>
    %ge3A_223 = arith.cmpf oge, %mul3A_188, %ge3A_222 : vector<1x24xf32>
    %convert_element_type3A_224 = arith.extui %ge3A_223 : vector<1x24xi1> to vector<1x24xi32>
    %convert_element_type3A_225 = arith.sitofp %convert_element_type3A_224 : vector<1x24xi32> to vector<1x24xf32>
    %add3A_226 = arith.addf %add3A_220, %convert_element_type3A_225 : vector<1x24xf32>
    %slice3A_227 = vector.extract_strided_slice %add3A_183 {offsets = [0, 6], sizes = [1, 1], strides = [1, 1]} : vector<1x8xf32> to vector<1x1xf32>
    %ge3A_228 = vector.broadcast %slice3A_227 : vector<1x1xf32> to vector<1x24xf32>
    %ge3A_229 = arith.cmpf oge, %mul3A_188, %ge3A_228 : vector<1x24xf32>
    %convert_element_type3A_230 = arith.extui %ge3A_229 : vector<1x24xi1> to vector<1x24xi32>
    %convert_element_type3A_231 = arith.sitofp %convert_element_type3A_230 : vector<1x24xi32> to vector<1x24xf32>
    %add3A_232 = arith.addf %add3A_226, %convert_element_type3A_231 : vector<1x24xf32>
    %slice3A_233 = vector.extract_strided_slice %add3A_183 {offsets = [0, 7], sizes = [1, 1], strides = [1, 1]} : vector<1x8xf32> to vector<1x1xf32>
    %ge3A_234 = vector.broadcast %slice3A_233 : vector<1x1xf32> to vector<1x24xf32>
    %ge3A_235 = arith.cmpf oge, %mul3A_188, %ge3A_234 : vector<1x24xf32>
    %convert_element_type3A_236 = arith.extui %ge3A_235 : vector<1x24xi1> to vector<1x24xi32>
    %convert_element_type3A_237 = arith.sitofp %convert_element_type3A_236 : vector<1x24xi32> to vector<1x24xf32>
    %add3A_238 = arith.addf %add3A_232, %convert_element_type3A_237 : vector<1x24xf32>
    %convert_element_type3A_239 = arith.fptosi %add3A_238 : vector<1x24xf32> to vector<1x24xi32>
    %swap3A_240 = arith.constant 0 : index
    %swap3A_241 = arith.constant 0 : index
    %swap3A_242 = vector.load %arg6[%swap3A_240, %swap3A_241] : memref<1x24xi32, #tpu.memory_space<vmem>>, vector<1x24xi32>
    tpu.vector_store %arg6[%swap3A_240, %swap3A_241], %convert_element_type3A_239 {strides = array<i32>} : memref<1x24xi32, #tpu.memory_space<vmem>>, vector<1x24xi32>,
    return
  }
}

</mosaic_0001>

<sc_bundles>
// kernel: kernel.10.cloned.1.call-start
scs
__scs_entry_jumppad:
0x0: {  	(pc) =	sbr.rel $0x88, $3  }
0x1: {  	(tag) =	ssettag $0x0;
	lr =	simm.s32 $0x1  }
0x2: {  	[smem:$0x3F98] =	sst lr;
	_ =	strace $0xD0000000  }
0x3: {  	_ = 	snop  }
0x4: {  	_ = 	snop  }
0x5: {  	_ = 	snop  }
0x6: {  	_ = 	snop  }
0x7: {  	_ = 	snop  }
__scs_overlays_trampoline_lowered:
0x8: {  	[smem:$0x3FA7] =	sst s0  }
0x9: {  	[smem:$0x3FA8] =	sst s1  }
0xa: {  	[smem:$0x3FA9] =	sst s2  }
0xb: {  	[smem:$0x3FAA] =	sst s3  }
0xc: {  	[smem:$0x3FAB] =	sst s4  }
0xd: {  	[smem:$0x3FAC] =	sst s5  }
0xe: {  	[smem:$0x3FAD] =	sst s6  }
0xf: {  	[smem:$0x3FAE] =	sst s7  }
0x10: {  	[smem:$0x3FAF] =	sst s8  }
0x11: {  	[smem:$0x3FB0] =	sst s9;
	s0 =	simm.s32 @!p0 $0x0  }
0x12: {  	s1 =	sld [smem:$0x3F96];
	s0 =	simm.s32 @p0 $0x1  }
0x13: {  	[smem:$0x3FB1] =	sst s0;
	s0 =	simm.s32 @!p1 $0x0  }
0x14: {  	s2 =	sld [smem:$0x3F95];
	s0 =	simm.s32 @p1 $0x1  }
0x15: {  	[smem:$0x3FB2] =	sst s0;
	s0 =	simm.s32 @!p2 $0x0  }
0x16: {  	s3 =	sld [smem:$0x3FDB];
	s0 =	simm.s32 @p2 $0x1  }
0x17: {  	s4 =	simm.s32 $0x1BF5;
	[smem:$0x3FB4] =	sst s0  }
0x18: {  	s0 =	sld [smem:$0x3F97];
	_ =	swait.ge [sflag:s4], $0x0  }
0x19: {  	s7 =	sld [smem:$0x3F98]  }
0x1a: {  	s8 =	sadd.s32 $0xFFFFE003, lr  }
0x1b: {  	s9 =	sadd.s32 $0xFFFFFEF7, lr;
	s5 =	simm.s32 $0xFFFFFFFF;
	p2 =	slt.u32 s8, $0xFFFFF086  }
0x1c: {  	p1 =	slt.u32 s9, $0xF7A;
	s5 =	simm.s32 @!p2 $0x0  }
0x1d: {  	s5 =	simm.s32 @p1 $0x1;
	p0 =	seq.s32 s7, s2  }
0x1e: {  	s7 =	smul.u32 @!p0 $0xF7A, s2;
	p2 =	seq.s32 @!p0 s5, $0x0  }
0x1f: {  	s9 =	smul.u32 $0xF7A, s1;
	s8 =	simm.s32 @!p0 $0x1BF5;
	p2 =	por !p2, p0  }
0x20: {  	[sflag:s8] =	ssyncset.s32 @!p0 $0xFFFFF086;
	s6 =	sadd.s32 @!p0 s3, s7;
	s7 =	simm.s32 @!p0 $0x108  }
0x21: {  	s3 =	sadd.s32 s3, s9;
	s6 =	sadd.s32 @!p0 $0x88, s6;
	s7 =	simm.s32 @p2 $0x1082  }
0x22: {  	[simem:s7], [sflag:s8] =	dma.local @!p0 [hbm:s6], $0xF7A  }
0x23: {  	s9 =	sor.u32 $0xD0000000, s2;
	s6 =	simm.s32 $0x108;
	_ =	swait.ge @!p0 [sflag:s8], $0x0  }
0x24: {  	s3 =	sadd.s32 $0x88, s3;
	s6 =	simm.s32 @!p1 $0x1082;
	[sflag:s4] =	ssyncset.s32 $0xFFFFF086  }
0x25: {  	[simem:s6], [sflag:s4] =	dma.local [hbm:s3], $0xF7A  }
0x26: {  	[smem:$0x3F98] =	sst s1;
	(tag) =	ssettag s2;
	_ =	strace s9  }
0x27: {  	s1 =	sld [smem:$0x3FA8]  }
0x28: {  	s2 =	sld [smem:$0x3FA9]  }
0x29: {  	s4 =	sld [smem:$0x3FAB]  }
0x2a: {  	p0 =	seq.s32 s5, $0x0;
	s5 =	sld [smem:$0x3FAC]  }
0x2b: {  	s6 =	sld [smem:$0x3FAD]  }
0x2c: {  	s7 =	sld [smem:$0x3FAE]  }
0x2d: {  	s3 =	simm.s32 $0x108;
	s8 =	sld [smem:$0x3FAF]  }
0x2e: {  	s3 =	simm.s32 @!p0 $0x1082;
	s9 =	sld [smem:$0x3FB0]  }
0x2f: {  	lr =	sadd.s32 s0, s3;
	s0 =	sld [smem:$0x3FA7]  }
0x30: {  	s3 =	sld [smem:$0x3FAA]  }
0x31: {  	[smem:$0x3FB3] =	sst s10  }
0x32: {  	s10 =	sld [smem:$0x3FB1];
	_ =	sdelay $0x3  }
0x33: {  	p0 =	seq.s32 s10, $0x1;
	s10 =	sld [smem:$0x3FB3];
	_ =	sdelay $0x3  }
0x34: {  	[smem:$0x3FB3] =	sst s10  }
0x35: {  	s10 =	sld [smem:$0x3FB2];
	_ =	sdelay $0x3  }
0x36: {  	p1 =	seq.s32 s10, $0x1;
	s10 =	sld [smem:$0x3FB3];
	_ =	sdelay $0x3  }
0x37: {  	[smem:$0x3FB3] =	sst s10  }
0x38: {  	s10 =	sld [smem:$0x3FB4]  }
0x39: {  	_ = 	snop;
	(pc) =	sbr.ind lr, $3  }
0x3a: {  	_ = 	snop  }
0x3b: {  	_ = 	snop  }
0x3c: {  	p2 =	seq.s32 s10, $0x1;
	s10 =	sld [smem:$0x3FB3]  }
0x3d: {  	_ =	shalt  }
0x3e: {  	_ =	shalt  }
0x3f: {  	_ =	shalt  }
0x40: {  	_ =	shalt  }
0x41: {  	_ =	shalt  }
0x42: {  	_ =	shalt  }
0x43: {  	_ =	shalt  }
0x44: {  	_ =	shalt  }
0x45: {  	_ =	shalt  }
0x46: {  	_ =	shalt  }
0x47: {  	_ =	shalt  }
0x48: {  	_ =	shalt  }
0x49: {  	_ =	shalt  }
0x4a: {  	_ =	shalt  }
0x4b: {  	_ =	shalt  }
0x4c: {  	_ =	shalt  }
0x4d: {  	_ =	shalt  }
0x4e: {  	_ =	shalt  }
0x4f: {  	_ =	shalt  }
0x50: {  	_ =	shalt  }
0x51: {  	_ =	shalt  }
0x52: {  	_ =	shalt  }
0x53: {  	_ =	shalt  }
0x54: {  	_ =	shalt  }
0x55: {  	_ =	shalt  }
0x56: {  	_ =	shalt  }
0x57: {  	_ =	shalt  }
0x58: {  	_ =	shalt  }
0x59: {  	_ =	shalt  }
0x5a: {  	_ =	shalt  }
0x5b: {  	_ =	shalt  }
0x5c: {  	_ =	shalt  }
0x5d: {  	_ =	shalt  }
0x5e: {  	_ =	shalt  }
0x5f: {  	_ =	shalt  }
0x60: {  	_ =	shalt  }
0x61: {  	_ =	shalt  }
0x62: {  	_ =	shalt  }
0x63: {  	_ =	shalt  }
0x64: {  	_ =	shalt  }
0x65: {  	_ =	shalt  }
0x66: {  	_ =	shalt  }
0x67: {  	_ =	shalt  }
0x68: {  	_ =	shalt  }
0x69: {  	_ =	shalt  }
0x6a: {  	_ =	shalt  }
0x6b: {  	_ =	shalt  }
0x6c: {  	_ =	shalt  }
0x6d: {  	_ =	shalt  }
0x6e: {  	_ =	shalt  }
0x6f: {  	_ =	shalt  }
0x70: {  	_ =	shalt  }
0x71: {  	_ =	shalt  }
0x72: {  	_ =	shalt  }
0x73: {  	_ =	shalt  }
0x74: {  	_ =	shalt  }
0x75: {  	_ =	shalt  }
0x76: {  	_ =	shalt  }
0x77: {  	_ =	shalt  }
0x78: {  	_ =	shalt  }
0x79: {  	_ =	shalt  }
0x7a: {  	_ =	shalt  }
0x7b: {  	_ =	shalt  }
0x7c: {  	_ =	shalt  }
0x7d: {  	_ =	shalt  }
0x7e: {  	_ =	shalt  }
0x7f: {  	_ =	shalt  }
0x80: {  	_ =	shalt  }
0x81: {  	_ =	shalt  }
0x82: {  	_ =	shalt  }
0x83: {  	_ =	shalt  }
0x84: {  	_ =	shalt  }
0x85: {  	_ =	shalt  }
0x86: {  	_ =	shalt  }
0x87: {  	_ =	shalt  }
.Lfunc_end0:
.L_simem_size_0:
called_computation.1_lowered:
.L_overlay_start_0:
0x88: {  	s2 =	sld [smem:$0x3FD9]  }
0x89: {  	s3 =	sld [smem:$0x3FFE];
	_ =	sdelay $0x1  }
0x8a: {  	s1 =	srdreg.scid  }
0x8b: {  	s0 =	sand.u32 $0x1, s1  }
0x8c: {  	s17 =	sshll.u32 s0, $0xA;
	s2 =	sadd.s32 s3, s2  }
0x8d: {  	s2 =	sadd.s32 s2, s17  }
0x8e: {  	[smem:$0x3FBF] =	sst s2  }
0x8f: {  	_ = 	snop  }
0x90: {  	s2 =	sld [smem:$0x3FD0];
	(tm) =	ssettm $0x1  }
0x91: {  	s18 =	sld [smem:$0x3FFB];
	_ =	sdelay $0x3  }
0x92: {  	_ =	strace s18  }
0x93: {  	s3 =	sld [smem:$0x3FFC];
	_ =	sdelay $0x3  }
0x94: {  	_ =	strace s3  }
0x95: {  	s3 =	sld [smem:$0x3FFD];
	_ =	sdelay $0x3  }
0x96: {  	_ =	strace s3  }
0x97: {  	_ =	strace $0x8FFFFFFF  }
0x98: {  	s19 =	sld [smem:$0x3FDB];
	_ =	sdelay $0x1  }
0x99: {  	s4 =	simm.s32 $_scs_section_size  }
0x9a: {  	s5 =	simm.s32 $_size__tile_overlayer_lowered;
	s6 =	simm.s32 $_tile_overlayer_lowered  }
0x9b: {  	s22 =	simm.s32 $0x1BFF;
	s21 =	sshll.u32 s6, $0x1;
	s3 =	sadd.s32 s4, s19  }
0x9c: {  	s7 =	simm.s32 $0x0;
	s20 =	sshll.u32 s5, $0x1;
	s5 =	sadd.s32 s21, s3  }
0x9d: {  	[timem:s7], [sflag:s22] =	dma.local [hbm:s5], s20  }
0x9e: {  	_ =	swait.ge [sflag:s22], s20  }
0x9f: {  	s4 =	ssub.s32 $0x0, s20;
	[sflag:s22] =	ssyncset.done $0x0  }
0xa0: {  	[sflag:s22] =	ssyncadd.s32 s4;
	_ =	sdelay $0x1  }
0xa1: {  	s23 =	simm.s32 $0x1B8B  }
0xa2: {  	_ =	swait.ge [sflag:s23], $0x1  }
0xa3: {  	[sflag:s23] =	ssyncset.done $0x0  }
0xa4: {  	s25 =	simm.s32 $0x1B8E;
	s24 =	sld [smem:$0x3FFE];
	[sflag:s23] =	ssyncadd.s32 $0xFFFFFFFF  }
0xa5: {  	s26 =	simm.s32 $execute0_lowered;
	[smem:$0x3FD2] =	sst s25  }
0xa6: {  	s5 =	sshll.u32 s26, $0x1;
	_ =	strace $0x80000049;
	[dreg:$0x1] =	wrdreg $0xFFFFFFFF  }
0xa7: {  	s28 =	simm.s32 $_size_execute0_lowered;
	s3 =	sadd.s32 s3, s5;
	[dreg:$0x0] =	wrdreg $0x0  }
0xa8: {  	s5 =	sshll.u32 s28, $0x1;
	[dreg:$0x2] =	wrdreg s3  }
0xa9: {  	[dreg:$0x3] =	wrdreg s5  }
0xaa: {  	[dreg:$0x4] =	wrdreg $0xC0  }
0xab: {  	_ =	task [dreg:s7], $0x5FFFF  }
0xac: {  	[dreg:$0x1] =	wrdreg $0xFFFFFFFF  }
0xad: {  	[dreg:$0x0] =	wrdreg $0x60  }
0xae: {  	[dreg:$0x2] =	wrdreg s24  }
0xaf: {  	[dreg:$0x3] =	wrdreg s2  }
0xb0: {  	[dreg:$0x4] =	wrdreg $0x9  }
0xb1: {  	_ =	task.clear_ibuf [dreg:s7], $0x5FFFF;
	_ =	strace $0x90000049  }
0xb2: {  	s29 =	simm.s32 $0x9;
	_ =	strace $0x8000004B  }
0xb3: {  	_ =	swait.ge [sflag:s29], $0x1  }
0xb4: {  	[sflag:s29] =	ssyncadd.s32 $0xFFFFFFFF  }
0xb5: {  	_ =	strace $0x9000004B  }
0xb6: {  	_ =	sfence  }
0xb7: {  	s30 =	sld [smem:$0x0];
	_ =	sdelay $0x2  }
0xb8: {  	s31 =	sshll.u32 s1, $0xD;
	s1 =	sshrl.u32 s1, $0x2  }
0xb9: {  	s3 =	sand.u32 $0x4000, s31;
	s1 =	sadd.s32 s1, s30  }
0xba: {  	s0 =	sor.u32 s3, s0;
	s1 =	sshll.u32 s1, $0x11  }
0xbb: {  	s0 =	sor.u32 s1, s0  }
0xbc: {  	s0 =	sadd.s32 $0x8F2B, s0  }
0xbd: {  	[sflag:s0] =	ssyncadd.remote.s32 $0x1  }
0xbe: {  	_ =	sfence.sel $0xFFFF  }
0xbf: {  	[dreg:$0x0] =	wrdreg $0xFFFFFFFF;
	(pc) =	sbr.abs _section_cstart, $3  }
0xc0: {  	[dreg:$0x1] =	wrdreg $0xFFFFFFFF  }
0xc1: {  	_ =	task.clear_ibuf [dreg:s7], $0x2FFFF;
	_ =	strace $0x9FFFFFFF  }
0xc2: {  	(tm) =	ssettm $0x7FFFFFFF  }
0xc3: {  	_ =	shalt  }
tec
execute0_lowered:
.L_overlay_start_1:
0x0: {  	(tag) =	ssettag $0x1  }
0x1: {  	s0 =	rddreg [dreg:$0x0]  }
0x2: {  	s1 =	simm.s32 $0x0;
	s24 =	srdreg.scid;
	s10 =	stileid.u32  }
0x3: {  	s15 =	simm.s32 $0x4;
	s28 =	simm.s32 $0x10100;
	s29 =	simm.s32 $0x10900  }
0x4: {  	s30 =	simm.s32 $0x11100;
	s31 =	simm.s32 $0x11900;
	s14 =	simm.s32 $0x2  }
0x5: {  	s16 =	simm.s32 $0x0;
	[smem:$0x7FF] =	sst s1;
	s3 =	sadd.s32 $0x111A00, s0  }
0x6: {  	s1 =	sand.u32 $0x1, s24;
	s4 =	sadd.s32 $0x11600, s0;
	s5 =	sadd.s32 $0x11800, s0  }
0x7: {  	s7 =	sadd.s32 $0x1600, s0;
	s8 =	sadd.s32 $0x9600, s0;
	s9 =	sadd.s32 $0xD1A00, s0  }
0x8: {  	s25 =	sshll.u32 s10, $0x7;
	s10 =	sadd.s32 $0x111B00, s0;
	s12 =	sadd.s32 $0x111C00, s0  }
0x9: {  	s13 =	sadd.s32 $0x111D00, s0;
	s24 =	simm.s32 $0xE900;
	s2 =	ssub.s32 $0x2, s1  }
0xa: {  	s0 =	simm.s32 $0x12100;
	s1 =	sshll.u32 s1, $0x6;
	s6 =	sshrl.u32 s2, $0x1  }
0xb: {  	v2 =	vlaneseq.u32;
	_ =	strace $0x8000004A;
	s11 =	sor.u32 s1, s25;
	s2 =	ssub.s32 s2, s6  }
0xc: {  	vm0 =	vmmov $0xffff;
	v1 =	vshrl.u32 v2, $0x3;
	s25 =	simm.s32 $0xF100;
	s1 =	simm.s32 $0x3;
	s26 =	smax.u32 s2, $0x1  }
0xd: {  	v0 =	vand.u32 $0x7, v2;
	v2 =	vor.u32 $0x8, v2;
	v1 =	vmul.u32 $0x8, v1;
	s6 =	simm.s32 $0x1;
	[dreg:$0x3] =	wrdreg s26;
	s26 =	simm.s32 $0xF900  }
.LBB2_1:
0xe: {  	[dreg:$0x4] =	wrdreg s16;
	p1 =	por $0x1, $0x1;
	s2 =	simm.s32 $0x0  }
.LBB2_2:
0xf: {  	s16 =	sor.u32 s11, s2  }
0x10: {  	s17 =	sshrl.u32 s16, $0x3  }
0x11: {  	s2 =	simm.s32 $0x0;
	s18 =	sadd.s32 s4, s17  }
0x12: {  	[tilespmem:s2], [sflag:$0x4] =	stream.linear.gather [hbm4b:s18+s2], $0x20, $0x38;
	[tilespmem:$0x1A100] =	vst v63  }
0x13: {  	_ =	swait.ge [sflag:s15], $0x20  }
0x14: {  	[sflag:s15] =	ssyncset.done $0x0  }
0x15: {  	s22 =	simm.s32 $0x80;
	s17 =	sadd.s32 s5, s17;
	[sflag:s15] =	ssyncadd.s32 $0xFFFFFFE0  }
0x16: {  	[tilespmem:s22], [sflag:$0x4] =	stream.linear.gather [hbm4b:s17+s2], $0x20, $0x38;
	[tilespmem:$0x1A100] =	vst v63  }
0x17: {  	_ =	swait.ge [sflag:s15], $0x20  }
0x18: {  	s23 =	sshll.u32 s16, $0x4;
	[sflag:s15] =	ssyncset.done $0x0  }
0x19: {  	s19 =	simm.s32 $0x100;
	s20 =	sadd.s32 s7, s23;
	[sflag:s15] =	ssyncadd.s32 $0xFFFFFFE0  }
0x1a: {  	[tilespmem:s19], [sflag:$0x4] =	stream.linear.gather [hbm4b:s20+s2], $0x1000, $0x38;
	[tilespmem:$0x1A100] =	vst v63  }
0x1b: {  	_ =	swait.ge [sflag:s15], $0x1000  }
0x1c: {  	[sflag:s15] =	ssyncset.done $0x0  }
0x1d: {  	s21 =	simm.s32 $0x1100;
	s17 =	sadd.s32 s8, s23;
	[sflag:s15] =	ssyncadd.s32 $0xFFFFF000  }
0x1e: {  	[tilespmem:s21], [sflag:$0x4] =	stream.linear.gather [hbm4b:s17+s2], $0x1000, $0x38;
	[tilespmem:$0x1A100] =	vst v63  }
0x1f: {  	_ =	swait.ge [sflag:s15], $0x1000  }
0x20: {  	[sflag:s15] =	ssyncset.done $0x0  }
0x21: {  	[sflag:s15] =	ssyncadd.s32 $0xFFFFF000  }
0x22: {  	v3 =	vld [tilespmem:$0x0];
	_ =	sdelay $0x4  }
0x23: {  	v4 =	vshll.u32 v3, $0x3  }
0x24: {  	v3 =	vand.u32 $0x7, v3;
	v4 =	vand.u32 $0xFFFFFFC0, v4  }
0x25: {  	v3 =	vor.u32 v3, v4  }
0x26: {  	v4 =	vperm.xlane v3, v0;
	_ =	sdelay $0x1  }
0x27: {  	v4 =	vadd.s32 v1, v4;
	_ =	sdelay $0x3  }
0x28: {  	s22 =	simm.s32 $0x2100  }
0x29: {  	[tilespmem:s22], [sflag:$0x1] =	stream.indirect_vreg.gather [hbm4b:s3+s2], $0x80, v4, vm0, $0xb8;
	[tilespmem:$0x1A100] =	vst v63  }
0x2a: {  	s23 =	simm.s32 $0x2900;
	v3 =	vperm.xlane v3, v2  }
0x2b: {  	[tilespmem:s23], [sflag:$0x1] =	stream.indirect_vreg.gather [hbm4b:s10+s2], $0x80, v4, vm0, $0xb8;
	[tilespmem:$0x1A100] =	vst v63  }
0x2c: {  	s18 =	simm.s32 $0x3100;
	v3 =	vadd.s32 v1, v3  }
0x2d: {  	[tilespmem:s18], [sflag:$0x1] =	stream.indirect_vreg.gather [hbm4b:s12+s2], $0x80, v4, vm0, $0xb8;
	[tilespmem:$0x1A100] =	vst v63  }
0x2e: {  	s19 =	simm.s32 $0x3900  }
0x2f: {  	[tilespmem:s19], [sflag:$0x1] =	stream.indirect_vreg.gather [hbm4b:s13+s2], $0x80, v4, vm0, $0xb8;
	[tilespmem:$0x1A100] =	vst v63  }
0x30: {  	s20 =	simm.s32 $0x4100  }
0x31: {  	[tilespmem:s20], [sflag:$0x1] =	stream.indirect_vreg.gather [hbm4b:s3+s2], $0x80, v3, vm0, $0xb8;
	[tilespmem:$0x1A100] =	vst v63  }
0x32: {  	s21 =	simm.s32 $0x4900  }
0x33: {  	[tilespmem:s21], [sflag:$0x1] =	stream.indirect_vreg.gather [hbm4b:s10+s2], $0x80, v3, vm0, $0xb8;
	[tilespmem:$0x1A100] =	vst v63  }
0x34: {  	s22 =	simm.s32 $0x5100  }
0x35: {  	[tilespmem:s22], [sflag:$0x1] =	stream.indirect_vreg.gather [hbm4b:s12+s2], $0x80, v3, vm0, $0xb8;
	[tilespmem:$0x1A100] =	vst v63  }
0x36: {  	s23 =	simm.s32 $0x5900  }
0x37: {  	[tilespmem:s23], [sflag:$0x1] =	stream.indirect_vreg.gather [hbm4b:s13+s2], $0x80, v3, vm0, $0xb8;
	[tilespmem:$0x1A100] =	vst v63  }
0x38: {  	v3 =	vld [tilespmem:$0x10];
	_ =	sdelay $0x4  }
0x39: {  	v61 =	vshll.u32 v3, $0x3  }
0x3a: {  	v3 =	vand.u32 $0x7, v3;
	v4 =	vand.u32 $0xFFFFFFC0, v61  }
0x3b: {  	v3 =	vor.u32 v3, v4  }
0x3c: {  	v4 =	vperm.xlane v3, v0;
	_ =	sdelay $0x1  }
0x3d: {  	v4 =	vadd.s32 v1, v4;
	_ =	sdelay $0x3  }
0x3e: {  	s18 =	simm.s32 $0x6100  }
0x3f: {  	[tilespmem:s18], [sflag:$0x1] =	stream.indirect_vreg.gather [hbm4b:s3+s2], $0x80, v4, vm0, $0xb8;
	[tilespmem:$0x1A100] =	vst v63  }
0x40: {  	s19 =	simm.s32 $0x6900;
	v3 =	vperm.xlane v3, v2  }
0x41: {  	[tilespmem:s19], [sflag:$0x1] =	stream.indirect_vreg.gather [hbm4b:s10+s2], $0x80, v4, vm0, $0xb8;
	[tilespmem:$0x1A100] =	vst v63  }
0x42: {  	s20 =	simm.s32 $0x7100;
	v3 =	vadd.s32 v1, v3  }
0x43: {  	[tilespmem:s20], [sflag:$0x1] =	stream.indirect_vreg.gather [hbm4b:s12+s2], $0x80, v4, vm0, $0xb8;
	[tilespmem:$0x1A100] =	vst v63  }
0x44: {  	s21 =	simm.s32 $0x7900  }
0x45: {  	[tilespmem:s21], [sflag:$0x1] =	stream.indirect_vreg.gather [hbm4b:s13+s2], $0x80, v4, vm0, $0xb8;
	[tilespmem:$0x1A100] =	vst v63  }
0x46: {  	s22 =	simm.s32 $0x8100  }
0x47: {  	[tilespmem:s22], [sflag:$0x1] =	stream.indirect_vreg.gather [hbm4b:s3+s2], $0x80, v3, vm0, $0xb8;
	[tilespmem:$0x1A100] =	vst v63  }
0x48: {  	s23 =	simm.s32 $0x8900  }
0x49: {  	[tilespmem:s23], [sflag:$0x1] =	stream.indirect_vreg.gather [hbm4b:s10+s2], $0x80, v3, vm0, $0xb8;
	[tilespmem:$0x1A100] =	vst v63  }
0x4a: {  	s18 =	simm.s32 $0x9100  }
0x4b: {  	[tilespmem:s18], [sflag:$0x1] =	stream.indirect_vreg.gather [hbm4b:s12+s2], $0x80, v3, vm0, $0xb8;
	[tilespmem:$0x1A100] =	vst v63  }
0x4c: {  	s19 =	simm.s32 $0x9900  }
0x4d: {  	[tilespmem:s19], [sflag:$0x1] =	stream.indirect_vreg.gather [hbm4b:s13+s2], $0x80, v3, vm0, $0xb8;
	[tilespmem:$0x1A100] =	vst v63  }
0x4e: {  	v3 =	vld [tilespmem:$0x80];
	_ =	sdelay $0x4  }
0x4f: {  	v62 =	vshll.u32 v3, $0x3  }
0x50: {  	v3 =	vand.u32 $0x7, v3;
	v4 =	vand.u32 $0xFFFFFFC0, v62  }
0x51: {  	v3 =	vor.u32 v3, v4  }
0x52: {  	v4 =	vperm.xlane v3, v0;
	_ =	sdelay $0x1  }
0x53: {  	v4 =	vadd.s32 v1, v4;
	_ =	sdelay $0x3  }
0x54: {  	s20 =	simm.s32 $0xA100  }
0x55: {  	[tilespmem:s20], [sflag:$0x2] =	stream.indirect_vreg.gather [hbm4b:s3+s2], $0x80, v4, vm0, $0xb8;
	[tilespmem:$0x1A100] =	vst v63  }
0x56: {  	s21 =	simm.s32 $0xA900;
	v3 =	vperm.xlane v3, v2  }
0x57: {  	[tilespmem:s21], [sflag:$0x2] =	stream.indirect_vreg.gather [hbm4b:s10+s2], $0x80, v4, vm0, $0xb8;
	[tilespmem:$0x1A100] =	vst v63  }
0x58: {  	s22 =	simm.s32 $0xB100;
	v3 =	vadd.s32 v1, v3  }
0x59: {  	[tilespmem:s22], [sflag:$0x2] =	stream.indirect_vreg.gather [hbm4b:s12+s2], $0x80, v4, vm0, $0xb8;
	[tilespmem:$0x1A100] =	vst v63  }
0x5a: {  	s23 =	simm.s32 $0xB900  }
0x5b: {  	[tilespmem:s23], [sflag:$0x2] =	stream.indirect_vreg.gather [hbm4b:s13+s2], $0x80, v4, vm0, $0xb8;
	[tilespmem:$0x1A100] =	vst v63  }
0x5c: {  	s18 =	simm.s32 $0xC100  }
0x5d: {  	[tilespmem:s18], [sflag:$0x2] =	stream.indirect_vreg.gather [hbm4b:s3+s2], $0x80, v3, vm0, $0xb8;
	[tilespmem:$0x1A100] =	vst v63  }
0x5e: {  	s19 =	simm.s32 $0xC900  }
0x5f: {  	[tilespmem:s19], [sflag:$0x2] =	stream.indirect_vreg.gather [hbm4b:s10+s2], $0x80, v3, vm0, $0xb8;
	[tilespmem:$0x1A100] =	vst v63  }
0x60: {  	s20 =	simm.s32 $0xD100  }
0x61: {  	[tilespmem:s20], [sflag:$0x2] =	stream.indirect_vreg.gather [hbm4b:s12+s2], $0x80, v3, vm0, $0xb8;
	[tilespmem:$0x1A100] =	vst v63  }
0x62: {  	s21 =	simm.s32 $0xD900  }
0x63: {  	[tilespmem:s21], [sflag:$0x2] =	stream.indirect_vreg.gather [hbm4b:s13+s2], $0x80, v3, vm0, $0xb8;
	[tilespmem:$0x1A100] =	vst v63  }
0x64: {  	v3 =	vld [tilespmem:$0x90];
	_ =	sdelay $0x4  }
0x65: {  	v63 =	vshll.u32 v3, $0x3  }
0x66: {  	v3 =	vand.u32 $0x7, v3;
	v4 =	vand.u32 $0xFFFFFFC0, v63  }
0x67: {  	v3 =	vor.u32 v3, v4  }
0x68: {  	v4 =	vperm.xlane v3, v0;
	_ =	sdelay $0x1  }
0x69: {  	v4 =	vadd.s32 v1, v4;
	_ =	sdelay $0x3  }
0x6a: {  	s22 =	simm.s32 $0xE100  }
0x6b: {  	[tilespmem:s22], [sflag:$0x2] =	stream.indirect_vreg.gather [hbm4b:s3+s2], $0x80, v4, vm0, $0xb8;
	[tilespmem:$0x1A100] =	vst v63  }
0x6c: {  	v3 =	vperm.xlane v3, v2  }
0x6d: {  	[tilespmem:s24], [sflag:$0x2] =	stream.indirect_vreg.gather [hbm4b:s10+s2], $0x80, v4, vm0, $0xb8;
	[tilespmem:$0x1A100] =	vst v63  }
0x6e: {  	v3 =	vadd.s32 v1, v3  }
0x6f: {  	[tilespmem:s25], [sflag:$0x2] =	stream.indirect_vreg.gather [hbm4b:s12+s2], $0x80, v4, vm0, $0xb8;
	[tilespmem:$0x1A100] =	vst v63  }
0x70: {  	_ = 	snop  }
0x71: {  	[tilespmem:s26], [sflag:$0x2] =	stream.indirect_vreg.gather [hbm4b:s13+s2], $0x80, v4, vm0, $0xb8;
	[tilespmem:$0x1A100] =	vst v63  }
0x72: {  	_ = 	snop  }
0x73: {  	[tilespmem:s28], [sflag:$0x2] =	stream.indirect_vreg.gather [hbm4b:s3+s2], $0x80, v3, vm0, $0xb8;
	[tilespmem:$0x1A100] =	vst v63  }
0x74: {  	_ = 	snop  }
0x75: {  	[tilespmem:s29], [sflag:$0x2] =	stream.indirect_vreg.gather [hbm4b:s10+s2], $0x80, v3, vm0, $0xb8;
	[tilespmem:$0x1A100] =	vst v63  }
0x76: {  	_ = 	snop  }
0x77: {  	[tilespmem:s30], [sflag:$0x2] =	stream.indirect_vreg.gather [hbm4b:s12+s2], $0x80, v3, vm0, $0xb8;
	[tilespmem:$0x1A100] =	vst v63  }
0x78: {  	s16 =	sshll.u32 s16, $0x7  }
0x79: {  	[tilespmem:s31], [sflag:$0x2] =	stream.indirect_vreg.gather [hbm4b:s13+s2], $0x80, v3, vm0, $0xb8;
	[tilespmem:$0x1A100] =	vst v63  }
0x7a: {  	s23 =	sadd.s32 s9, s16  }
0x7b: {  	[tilespmem:s0], [sflag:$0x3] =	stream.linear.gather [hbm4b:s23+s2], $0x8000, $0x38;
	[tilespmem:$0x1A100] =	vst v63  }
0x7c: {  	_ =	swait.ge [sflag:s6], $0x8000  }
0x7d: {  	[sflag:s6] =	ssyncset.done $0x0  }
0x7e: {  	[sflag:s6] =	ssyncadd.s32 $0xFFFF8000  }
0x7f: {  	_ =	swait.ge [sflag:s14], $0x8000  }
0x80: {  	[sflag:s14] =	ssyncset.done $0x0  }
0x81: {  	[sflag:s14] =	ssyncadd.s32 $0xFFFF8000  }
0x82: {  	_ =	swait.ge [sflag:s1], $0x8000  }
0x83: {  	[sflag:s1] =	ssyncset.done $0x0  }
0x84: {  	p0 =	por p1, p1;
	s17 =	simm.s32 $0x0;
	[sflag:s1] =	ssyncadd.s32 $0xFFFF8000  }
.LBB2_3:
0x85: {  	s19 =	sshll.u32 s17, $0x7;
	s18 =	sshll.u32 s17, $0xA  }
0x86: {  	s18 =	sand.u32 $0x6000, s18;
	s20 =	sand.u32 $0x380, s19  }
0x87: {  	s22 =	sand.u32 $0x40, s2;
	s18 =	sor.u32 s18, s20  }
0x88: {  	s21 =	sand.u32 $0x1C00, s2;
	v3 =	vld [tilespmem:s19+$0x100];
	s20 =	sor.u32 s22, s18  }
0x89: {  	v4 =	vld [tilespmem:s19+$0x1100];
	s19 =	sor.u32 s21, s20  }
0x8a: {  	v5 =	vld [tilespmem:s19+$0x2100]  }
0x8b: {  	v6 =	vld [tilespmem:s19+$0xA100]  }
0x8c: {  	v7 =	vld [tilespmem:s19+$0x2110]  }
0x8d: {  	v8 =	vld [tilespmem:s19+$0xA110]  }
0x8e: {  	v9 =	vld [tilespmem:s19+$0x2120]  }
0x8f: {  	v10 =	vld [tilespmem:s19+$0xA120]  }
0x90: {  	v11 =	vld [tilespmem:s19+$0x2130]  }
0x91: {  	v12 =	vld [tilespmem:s19+$0xA130]  }
0x92: {  	s23 =	simm.s32 $0x40;
	v13 =	vld [tilespmem:s19+$0x12100]  }
0x93: {  	s20 =	sand.u32 $0x40, s23;
	s21 =	simm.s32 $0x200;
	v14 =	vld [tilespmem:s19+$0x12110];
	v5 =	vmul.f32 v5, v3;
	v6 =	vmul.f32 v6, v4  }
0x94: {  	s22 =	sand.u32 $0x1C00, s21;
	s20 =	sor.u32 s20, s18;
	v15 =	vld [tilespmem:s19+$0x12120];
	v7 =	vmul.f32 v7, v3;
	v8 =	vmul.f32 v8, v4  }
0x95: {  	v16 =	vld [tilespmem:s19+$0x12130];
	s20 =	sor.u32 s22, s20;
	v9 =	vmul.f32 v9, v3;
	v10 =	vmul.f32 v10, v4;
	v17 =	vadd.f32 v6, v5  }
0x96: {  	v11 =	vmul.f32 v11, v3;
	v12 =	vmul.f32 v12, v4;
	v5 =	vld [tilespmem:s20+$0x2100];
	v18 =	vadd.f32 v8, v7  }
0x97: {  	v6 =	vld [tilespmem:s20+$0xA100];
	v10 =	vadd.f32 v10, v9;
	v13 =	vadd.f32 v17, v13  }
0x98: {  	v7 =	vld [tilespmem:s20+$0x2110];
	v11 =	vadd.f32 v12, v11;
	v14 =	vadd.f32 v18, v14  }
0x99: {  	v8 =	vld [tilespmem:s20+$0xA110];
	v10 =	vadd.f32 v10, v15;
	[tilespmem:s19+$0x12100] =	vst v13  }
0x9a: {  	s22 =	simm.s32 $0x80;
	v11 =	vadd.f32 v11, v16;
	v9 =	vld [tilespmem:s20+$0x2120];
	[tilespmem:s19+$0x12110] =	vst v14  }
.LBB2_4:
0x9b: {  	p1 =	sne.s32 s22, $0x3C0;
	v12 =	vld [tilespmem:s20+$0xA120];
	[tilespmem:s19+$0x12120] =	vst v10  }
0x9c: {  	v10 =	vld [tilespmem:s20+$0x2130];
	[tilespmem:s19+$0x12130] =	vst v11;
	s19 =	smov.u32 s20  }
0x9d: {  	v11 =	vld [tilespmem:s19+$0xA130]  }
0x9e: {  	v13 =	vld [tilespmem:s19+$0x12100]  }
0x9f: {  	v5 =	vmul.f32 v5, v3;
	s21 =	sadd.s32 $0x200, s21;
	s20 =	sand.u32 $0x40, s22;
	v6 =	vmul.f32 v6, v4;
	v14 =	vld [tilespmem:s19+$0x12110]  }
0xa0: {  	s23 =	sand.u32 $0x1C00, s21;
	s20 =	sor.u32 s20, s18;
	v7 =	vmul.f32 v7, v3;
	v8 =	vmul.f32 v8, v4;
	v15 =	vld [tilespmem:s19+$0x12120]  }
0xa1: {  	s20 =	sor.u32 s23, s20;
	v16 =	vadd.f32 v6, v5;
	v9 =	vmul.f32 v9, v3;
	v12 =	vmul.f32 v12, v4;
	v17 =	vld [tilespmem:s19+$0x12130]  }
.Ltmp0:
0xa2: {  	v8 =	vadd.f32 v8, v7;
	v10 =	vmul.f32 v10, v3;
	v5 =	vld [tilespmem:s20+$0x2100];
	v11 =	vmul.f32 v11, v4;
	(pc) =	sbr.rel @p1 .LBB2_4-.Ltmp0, $4  }
0xa3: {  	v9 =	vadd.f32 v12, v9;
	v6 =	vld [tilespmem:s20+$0xA100];
	v13 =	vadd.f32 v16, v13  }
0xa4: {  	v7 =	vld [tilespmem:s20+$0x2110];
	v12 =	vadd.f32 v8, v14;
	v11 =	vadd.f32 v11, v10  }
0xa5: {  	v8 =	vld [tilespmem:s20+$0xA110];
	[tilespmem:s19+$0x12100] =	vst v13;
	v10 =	vadd.f32 v9, v15  }
0xa6: {  	s22 =	sadd.s32 $0x40, s22;
	v9 =	vld [tilespmem:s20+$0x2120];
	[tilespmem:s19+$0x12110] =	vst v12;
	v11 =	vadd.f32 v11, v17  }
0xa7: {  	v12 =	vld [tilespmem:s20+$0xA120];
	[tilespmem:s19+$0x12120] =	vst v10  }
0xa8: {  	v10 =	vld [tilespmem:s20+$0x2130];
	[tilespmem:s19+$0x12130] =	vst v11  }
0xa9: {  	v11 =	vld [tilespmem:s20+$0xA130]  }
0xaa: {  	v13 =	vld [tilespmem:s20+$0x12100]  }
0xab: {  	v5 =	vmul.f32 v5, v3;
	v6 =	vmul.f32 v6, v4;
	v14 =	vld [tilespmem:s20+$0x12110]  }
0xac: {  	v7 =	vmul.f32 v7, v3;
	v15 =	vld [tilespmem:s20+$0x12120];
	v8 =	vmul.f32 v8, v4  }
0xad: {  	v61 =	vld [tilespmem:s20+$0x12130];
	v5 =	vadd.f32 v6, v5;
	v59 =	vmul.f32 v9, v3;
	v60 =	vmul.f32 v12, v4  }
0xae: {  	s17 =	sadd.s32 $0x1, s17;
	v7 =	vadd.f32 v8, v7;
	v3 =	vmul.f32 v10, v3;
	v62 =	vmul.f32 v11, v4  }
0xaf: {  	p1 =	sne.s32 s17, $0x20;
	v5 =	vadd.f32 v5, v13;
	v6 =	vadd.f32 v60, v59  }
.Ltmp1:
0xb0: {  	v7 =	vadd.f32 v7, v14;
	v3 =	vadd.f32 v62, v3;
	(pc) =	sbr.rel @p1 .LBB2_3-.Ltmp1, $4  }
0xb1: {  	[tilespmem:s20+$0x12100] =	vst v5;
	v63 =	vadd.f32 v6, v15  }
0xb2: {  	[tilespmem:s20+$0x12110] =	vst v7;
	v3 =	vadd.f32 v3, v61  }
0xb3: {  	[tilespmem:s20+$0x12120] =	vst v63  }
0xb4: {  	[tilespmem:s20+$0x12130] =	vst v3  }
0xb5: {  	s2 =	rddreg [dreg:$0x1]  }
.Ltmp2:
0xb6: {  	s23 =	simm.s32 $0x0;
	s2 =	sadd.s32 s2, s16;
	(pc) =	sbr.rel @p0 .LBB2_2-.Ltmp2, $4  }
0xb7: {  	[hbm4b:s2+s23] =	stream.linear.scatter [tilespmem:s0], [sflag:$0x4], $0x8000, $0x38;
	[tilespmem:$0x1A100] =	vst v63  }
0xb8: {  	_ =	swait.ge [sflag:s15], $0x8000  }
0xb9: {  	[sflag:s15] =	ssyncset.done $0x0  }
0xba: {  	p1 =	por $0x0, $0x0;
	s2 =	simm.s32 $0x20;
	[sflag:s15] =	ssyncadd.s32 $0xFFFF8000  }
0xbb: {  	s16 =	rddreg [dreg:$0x4]  }
0xbc: {  	s2 =	rddreg [dreg:$0x3];
	s16 =	sadd.s32 $0x1, s16  }
0xbd: {  	p0 =	sne.s32 s16, s2  }
.Ltmp3:
0xbe: {  	_ = 	snop;
	(pc) =	sbr.rel @p0 .LBB2_1-.Ltmp3, $1  }
0xbf: {  	_ =	sdelay $0x3  }
0xc0: {  	_ =	sfence.sel $0x180000  }
0xc1: {  	[bflag:$0x0] =	sbarrier.arrive $0xFFFF  }
0xc2: {  	_ =	strace $0x9000004A  }
0xc3: {  	s0 =	stileid.u32;
	[bflag:$0x2] =	sbarrier.arrive $0xFFFF  }
0xc4: {  	p0 =	sne.s32 s0, $0x0;
	s0 =	rddreg [dreg:$0x2]  }
0xc5: {  	s0 =	sadd.s32 @!p0 $0x100000, s0  }
0xc6: {  	[sflag:s0] =	ssyncadd.tile.s32 @!p0 $0x1;
	_ =	shalt  }
.Lfunc_end2:
_tile_overlayer_lowered:
.L_overlay_start_2:
0xc7: {  	(tag) =	ssettag $0x2  }
0xc8: {  	s0 =	rddreg [dreg:$0x0];
	s2 =	stileid.u32  }
0xc9: {  	s1 =	rddreg [dreg:$0x1];
	p0 =	sne.s32 s2, $0x0  }
0xca: {  	s3 =	rddreg [dreg:$0x2];
	[bflag:$0x3] =	sbarrier.arrive $0xFFFF;
	s2 =	simm.s32 @!p0 $0x1C04  }
0xcb: {  	[timem:s3], [sflag:s2] =	dma.local @!p0 [hbm:s0], s1  }
0xcc: {  	s0 =	simm.s32 @!p0 $0x4  }
0xcd: {  	_ =	swait.ge @!p0 [sflag:s0], s1  }
0xce: {  	s1 =	ssub.s32 @!p0 $0x0, s1;
	[sflag:s0] =	ssyncset.done @!p0 $0x0  }
0xcf: {  	[sflag:s0] =	ssyncadd.s32 @!p0 s1  }
0xd0: {  	[bflag:$0x3] =	sbarrier.arrive $0xFFFF  }
0xd1: {  	_ =	shalt  }

// kernel: kernel.7.cloned.1.call-start
scs
__scs_entry_jumppad:
0x0: {  	(pc) =	sbr.rel $0x88, $3  }
0x1: {  	(tag) =	ssettag $0x0;
	lr =	simm.s32 $0x1  }
0x2: {  	[smem:$0x3F98] =	sst lr;
	_ =	strace $0xD0000000  }
0x3: {  	_ = 	snop  }
0x4: {  	_ = 	snop  }
0x5: {  	_ = 	snop  }
0x6: {  	_ = 	snop  }
0x7: {  	_ = 	snop  }
__scs_overlays_trampoline_lowered:
0x8: {  	[smem:$0x3FA7] =	sst s0  }
0x9: {  	[smem:$0x3FA8] =	sst s1  }
0xa: {  	[smem:$0x3FA9] =	sst s2  }
0xb: {  	[smem:$0x3FAA] =	sst s3  }
0xc: {  	[smem:$0x3FAB] =	sst s4  }
0xd: {  	[smem:$0x3FAC] =	sst s5  }
0xe: {  	[smem:$0x3FAD] =	sst s6  }
0xf: {  	[smem:$0x3FAE] =	sst s7  }
0x10: {  	[smem:$0x3FAF] =	sst s8  }
0x11: {  	[smem:$0x3FB0] =	sst s9;
	s0 =	simm.s32 @!p0 $0x0  }
0x12: {  	s1 =	sld [smem:$0x3F96];
	s0 =	simm.s32 @p0 $0x1  }
0x13: {  	[smem:$0x3FB1] =	sst s0;
	s0 =	simm.s32 @!p1 $0x0  }
0x14: {  	s2 =	sld [smem:$0x3F95];
	s0 =	simm.s32 @p1 $0x1  }
0x15: {  	[smem:$0x3FB2] =	sst s0;
	s0 =	simm.s32 @!p2 $0x0  }
0x16: {  	s3 =	sld [smem:$0x3FDB];
	s0 =	simm.s32 @p2 $0x1  }
0x17: {  	s4 =	simm.s32 $0x1BF5;
	[smem:$0x3FB4] =	sst s0  }
0x18: {  	s0 =	sld [smem:$0x3F97];
	_ =	swait.ge [sflag:s4], $0x0  }
0x19: {  	s7 =	sld [smem:$0x3F98]  }
0x1a: {  	s8 =	sadd.s32 $0xFFFFE003, lr  }
0x1b: {  	s9 =	sadd.s32 $0xFFFFFEF7, lr;
	s5 =	simm.s32 $0xFFFFFFFF;
	p2 =	slt.u32 s8, $0xFFFFF086  }
0x1c: {  	p1 =	slt.u32 s9, $0xF7A;
	s5 =	simm.s32 @!p2 $0x0  }
0x1d: {  	s5 =	simm.s32 @p1 $0x1;
	p0 =	seq.s32 s7, s2  }
0x1e: {  	s7 =	smul.u32 @!p0 $0xF7A, s2;
	p2 =	seq.s32 @!p0 s5, $0x0  }
0x1f: {  	s9 =	smul.u32 $0xF7A, s1;
	s8 =	simm.s32 @!p0 $0x1BF5;
	p2 =	por !p2, p0  }
0x20: {  	[sflag:s8] =	ssyncset.s32 @!p0 $0xFFFFF086;
	s6 =	sadd.s32 @!p0 s3, s7;
	s7 =	simm.s32 @!p0 $0x108  }
0x21: {  	s3 =	sadd.s32 s3, s9;
	s6 =	sadd.s32 @!p0 $0x88, s6;
	s7 =	simm.s32 @p2 $0x1082  }
0x22: {  	[simem:s7], [sflag:s8] =	dma.local @!p0 [hbm:s6], $0xF7A  }
0x23: {  	s9 =	sor.u32 $0xD0000000, s2;
	s6 =	simm.s32 $0x108;
	_ =	swait.ge @!p0 [sflag:s8], $0x0  }
0x24: {  	s3 =	sadd.s32 $0x88, s3;
	s6 =	simm.s32 @!p1 $0x1082;
	[sflag:s4] =	ssyncset.s32 $0xFFFFF086  }
0x25: {  	[simem:s6], [sflag:s4] =	dma.local [hbm:s3], $0xF7A  }
0x26: {  	[smem:$0x3F98] =	sst s1;
	(tag) =	ssettag s2;
	_ =	strace s9  }
0x27: {  	s1 =	sld [smem:$0x3FA8]  }
0x28: {  	s2 =	sld [smem:$0x3FA9]  }
0x29: {  	s4 =	sld [smem:$0x3FAB]  }
0x2a: {  	p0 =	seq.s32 s5, $0x0;
	s5 =	sld [smem:$0x3FAC]  }
0x2b: {  	s6 =	sld [smem:$0x3FAD]  }
0x2c: {  	s7 =	sld [smem:$0x3FAE]  }
0x2d: {  	s3 =	simm.s32 $0x108;
	s8 =	sld [smem:$0x3FAF]  }
0x2e: {  	s3 =	simm.s32 @!p0 $0x1082;
	s9 =	sld [smem:$0x3FB0]  }
0x2f: {  	lr =	sadd.s32 s0, s3;
	s0 =	sld [smem:$0x3FA7]  }
0x30: {  	s3 =	sld [smem:$0x3FAA]  }
0x31: {  	[smem:$0x3FB3] =	sst s10  }
0x32: {  	s10 =	sld [smem:$0x3FB1];
	_ =	sdelay $0x3  }
0x33: {  	p0 =	seq.s32 s10, $0x1;
	s10 =	sld [smem:$0x3FB3];
	_ =	sdelay $0x3  }
0x34: {  	[smem:$0x3FB3] =	sst s10  }
0x35: {  	s10 =	sld [smem:$0x3FB2];
	_ =	sdelay $0x3  }
0x36: {  	p1 =	seq.s32 s10, $0x1;
	s10 =	sld [smem:$0x3FB3];
	_ =	sdelay $0x3  }
0x37: {  	[smem:$0x3FB3] =	sst s10  }
0x38: {  	s10 =	sld [smem:$0x3FB4]  }
0x39: {  	_ = 	snop;
	(pc) =	sbr.ind lr, $3  }
0x3a: {  	_ = 	snop  }
0x3b: {  	_ = 	snop  }
0x3c: {  	p2 =	seq.s32 s10, $0x1;
	s10 =	sld [smem:$0x3FB3]  }
0x3d: {  	_ =	shalt  }
0x3e: {  	_ =	shalt  }
0x3f: {  	_ =	shalt  }
0x40: {  	_ =	shalt  }
0x41: {  	_ =	shalt  }
0x42: {  	_ =	shalt  }
0x43: {  	_ =	shalt  }
0x44: {  	_ =	shalt  }
0x45: {  	_ =	shalt  }
0x46: {  	_ =	shalt  }
0x47: {  	_ =	shalt  }
0x48: {  	_ =	shalt  }
0x49: {  	_ =	shalt  }
0x4a: {  	_ =	shalt  }
0x4b: {  	_ =	shalt  }
0x4c: {  	_ =	shalt  }
0x4d: {  	_ =	shalt  }
0x4e: {  	_ =	shalt  }
0x4f: {  	_ =	shalt  }
0x50: {  	_ =	shalt  }
0x51: {  	_ =	shalt  }
0x52: {  	_ =	shalt  }
0x53: {  	_ =	shalt  }
0x54: {  	_ =	shalt  }
0x55: {  	_ =	shalt  }
0x56: {  	_ =	shalt  }
0x57: {  	_ =	shalt  }
0x58: {  	_ =	shalt  }
0x59: {  	_ =	shalt  }
0x5a: {  	_ =	shalt  }
0x5b: {  	_ =	shalt  }
0x5c: {  	_ =	shalt  }
0x5d: {  	_ =	shalt  }
0x5e: {  	_ =	shalt  }
0x5f: {  	_ =	shalt  }
0x60: {  	_ =	shalt  }
0x61: {  	_ =	shalt  }
0x62: {  	_ =	shalt  }
0x63: {  	_ =	shalt  }
0x64: {  	_ =	shalt  }
0x65: {  	_ =	shalt  }
0x66: {  	_ =	shalt  }
0x67: {  	_ =	shalt  }
0x68: {  	_ =	shalt  }
0x69: {  	_ =	shalt  }
0x6a: {  	_ =	shalt  }
0x6b: {  	_ =	shalt  }
0x6c: {  	_ =	shalt  }
0x6d: {  	_ =	shalt  }
0x6e: {  	_ =	shalt  }
0x6f: {  	_ =	shalt  }
0x70: {  	_ =	shalt  }
0x71: {  	_ =	shalt  }
0x72: {  	_ =	shalt  }
0x73: {  	_ =	shalt  }
0x74: {  	_ =	shalt  }
0x75: {  	_ =	shalt  }
0x76: {  	_ =	shalt  }
0x77: {  	_ =	shalt  }
0x78: {  	_ =	shalt  }
0x79: {  	_ =	shalt  }
0x7a: {  	_ =	shalt  }
0x7b: {  	_ =	shalt  }
0x7c: {  	_ =	shalt  }
0x7d: {  	_ =	shalt  }
0x7e: {  	_ =	shalt  }
0x7f: {  	_ =	shalt  }
0x80: {  	_ =	shalt  }
0x81: {  	_ =	shalt  }
0x82: {  	_ =	shalt  }
0x83: {  	_ =	shalt  }
0x84: {  	_ =	shalt  }
0x85: {  	_ =	shalt  }
0x86: {  	_ =	shalt  }
0x87: {  	_ =	shalt  }
.Lfunc_end0:
.L_simem_size_0:
called_computation_lowered:
.L_overlay_start_0:
0x88: {  	s2 =	sld [smem:$0x3FD9]  }
0x89: {  	s3 =	sld [smem:$0x3FFE];
	_ =	sdelay $0x1  }
0x8a: {  	s1 =	srdreg.scid  }
0x8b: {  	s0 =	sand.u32 $0x1, s1  }
0x8c: {  	s17 =	sshll.u32 s0, $0xA;
	s2 =	sadd.s32 s3, s2  }
0x8d: {  	s2 =	sadd.s32 s2, s17  }
0x8e: {  	[smem:$0x3FBF] =	sst s2  }
0x8f: {  	_ = 	snop  }
0x90: {  	s2 =	sld [smem:$0x3FC9]  }
0x91: {  	s18 =	sld [smem:$0x3FD0];
	(tm) =	ssettm $0x1  }
0x92: {  	s4 =	sld [smem:$0x3FFB];
	_ =	sdelay $0x3  }
0x93: {  	_ =	strace s4  }
0x94: {  	s4 =	sld [smem:$0x3FFC];
	_ =	sdelay $0x3  }
0x95: {  	_ =	strace s4  }
0x96: {  	s4 =	sld [smem:$0x3FFD];
	_ =	sdelay $0x3  }
0x97: {  	_ =	strace s4  }
0x98: {  	_ =	strace $0x8FFFFFFF  }
0x99: {  	s19 =	sld [smem:$0x3FDB];
	_ =	sdelay $0x1  }
0x9a: {  	s5 =	simm.s32 $_scs_section_size  }
0x9b: {  	s6 =	simm.s32 $_size__tile_overlayer_lowered;
	s7 =	simm.s32 $_tile_overlayer_lowered  }
0x9c: {  	s22 =	simm.s32 $0x1BFF;
	s21 =	sshll.u32 s7, $0x1;
	s4 =	sadd.s32 s5, s19  }
0x9d: {  	s8 =	simm.s32 $0x0;
	s20 =	sshll.u32 s6, $0x1;
	s6 =	sadd.s32 s21, s4  }
0x9e: {  	[timem:s8], [sflag:s22] =	dma.local [hbm:s6], s20  }
0x9f: {  	_ =	swait.ge [sflag:s22], s20  }
0xa0: {  	s5 =	ssub.s32 $0x0, s20;
	[sflag:s22] =	ssyncset.done $0x0  }
0xa1: {  	[sflag:s22] =	ssyncadd.s32 s5;
	_ =	sdelay $0x1  }
0xa2: {  	s23 =	simm.s32 $0x1B8B  }
0xa3: {  	_ =	swait.ge [sflag:s23], $0x1  }
0xa4: {  	[sflag:s23] =	ssyncset.done $0x0  }
0xa5: {  	s25 =	simm.s32 $0x1B8E;
	s24 =	sld [smem:$0x3FFE];
	[sflag:s23] =	ssyncadd.s32 $0xFFFFFFFF  }
0xa6: {  	s26 =	simm.s32 $execute0_lowered;
	[smem:$0x3FD2] =	sst s25  }
0xa7: {  	s6 =	sshll.u32 s26, $0x1;
	_ =	strace $0x80000046;
	[dreg:$0x1] =	wrdreg $0xFFFFFFFF  }
0xa8: {  	s28 =	simm.s32 $_size_execute0_lowered;
	s4 =	sadd.s32 s4, s6;
	[dreg:$0x0] =	wrdreg $0x0  }
0xa9: {  	s6 =	sshll.u32 s28, $0x1;
	[dreg:$0x2] =	wrdreg s4  }
0xaa: {  	[dreg:$0x3] =	wrdreg s6  }
0xab: {  	[dreg:$0x4] =	wrdreg $0xC0  }
0xac: {  	_ =	task [dreg:s8], $0x5FFFF  }
0xad: {  	[dreg:$0x1] =	wrdreg $0xFFFFFFFF  }
0xae: {  	[dreg:$0x0] =	wrdreg $0x60  }
0xaf: {  	[dreg:$0x2] =	wrdreg s2  }
0xb0: {  	[dreg:$0x3] =	wrdreg s18  }
0xb1: {  	[dreg:$0x4] =	wrdreg s24  }
0xb2: {  	[dreg:$0x5] =	wrdreg $0x9  }
0xb3: {  	_ =	task.clear_ibuf [dreg:s8], $0x6FFFF;
	_ =	strace $0x90000046  }
0xb4: {  	s29 =	simm.s32 $0x9;
	_ =	strace $0x80000048  }
0xb5: {  	_ =	swait.ge [sflag:s29], $0x1  }
0xb6: {  	[sflag:s29] =	ssyncadd.s32 $0xFFFFFFFF  }
0xb7: {  	_ =	strace $0x90000048  }
0xb8: {  	_ =	sfence  }
0xb9: {  	s30 =	sld [smem:$0x0];
	_ =	sdelay $0x2  }
0xba: {  	s31 =	sshll.u32 s1, $0xD;
	s1 =	sshrl.u32 s1, $0x2  }
0xbb: {  	s3 =	sand.u32 $0x4000, s31;
	s1 =	sadd.s32 s1, s30  }
0xbc: {  	s0 =	sor.u32 s3, s0;
	s1 =	sshll.u32 s1, $0x11  }
0xbd: {  	s0 =	sor.u32 s1, s0  }
0xbe: {  	s0 =	sadd.s32 $0x8F2B, s0  }
0xbf: {  	[sflag:s0] =	ssyncadd.remote.s32 $0x1  }
0xc0: {  	_ =	sfence.sel $0xFFFF  }
0xc1: {  	[dreg:$0x0] =	wrdreg $0xFFFFFFFF;
	(pc) =	sbr.abs _section_cstart, $3  }
0xc2: {  	[dreg:$0x1] =	wrdreg $0xFFFFFFFF  }
0xc3: {  	_ =	task.clear_ibuf [dreg:s8], $0x2FFFF;
	_ =	strace $0x9FFFFFFF  }
0xc4: {  	(tm) =	ssettm $0x7FFFFFFF  }
0xc5: {  	_ =	shalt  }
tec
execute0_lowered:
.L_overlay_start_1:
0x0: {  	(tag) =	ssettag $0x1  }
0x1: {  	s0 =	rddreg [dreg:$0x0]  }
0x2: {  	s1 =	rddreg [dreg:$0x1]  }
0x3: {  	s3 =	rddreg [dreg:$0x2];
	s2 =	simm.s32 $0x0  }
0x4: {  	s17 =	simm.s32 $0x8A00;
	[smem:$0x7FF] =	sst s2  }
0x5: {  	s18 =	simm.s32 $0x9200;
	_ =	strace $0x80000047;
	[dreg:$0x8] =	wrdreg s17  }
0x6: {  	s19 =	simm.s32 $0x9A00;
	[dreg:$0x9] =	wrdreg s18  }
0x7: {  	s20 =	simm.s32 $0xA200;
	[dreg:$0xa] =	wrdreg s19  }
0x8: {  	s21 =	simm.s32 $0xAA00;
	[dreg:$0xb] =	wrdreg s20  }
0x9: {  	s22 =	simm.s32 $0xB200;
	[dreg:$0xc] =	wrdreg s21  }
0xa: {  	s4 =	srdreg.scid;
	s23 =	simm.s32 $0xBA00;
	[dreg:$0xd] =	wrdreg s22  }
0xb: {  	s8 =	stileid.u32;
	s24 =	simm.s32 $0xC200;
	[dreg:$0xe] =	wrdreg s23  }
0xc: {  	s25 =	simm.s32 $0xCA00;
	s13 =	sshll.u32 s8, $0xF;
	[dreg:$0xf] =	wrdreg s24  }
0xd: {  	s14 =	sshll.u32 s8, $0x7;
	s8 =	simm.s32 $0xE200;
	[dreg:$0x10] =	wrdreg s25  }
0xe: {  	s9 =	simm.s32 $0xEA00;
	s10 =	simm.s32 $0xF200;
	[dreg:$0x13] =	wrdreg s8  }
0xf: {  	s11 =	simm.s32 $0xFA00;
	s12 =	simm.s32 $0x10A00;
	[dreg:$0x14] =	wrdreg s9  }
0x10: {  	s31 =	simm.s32 $0x3;
	s28 =	simm.s32 $0x6200;
	[dreg:$0x15] =	wrdreg s10  }
0x11: {  	s29 =	simm.s32 $0x6A00;
	s5 =	sand.u32 $0x1, s4;
	[dreg:$0x16] =	wrdreg s11  }
0x12: {  	s4 =	sand.u32 $0x38000, s13;
	[dreg:$0x17] =	wrdreg s12;
	s13 =	simm.s32 $0x11200  }
0x13: {  	s30 =	simm.s32 $0x7A00;
	s17 =	simm.s32 $0x13200;
	[dreg:$0x18] =	wrdreg s13  }
0x14: {  	s6 =	sshll.u32 s5, $0xE;
	s18 =	simm.s32 $0x13A00;
	[dreg:$0x1c] =	wrdreg s17  }
0x15: {  	s7 =	sshll.u32 s5, $0x6;
	s19 =	simm.s32 $0x14200;
	[dreg:$0x1d] =	wrdreg s18  }
0x16: {  	s26 =	ssub.s32 $0x2, s5;
	s20 =	simm.s32 $0x14A00;
	[dreg:$0x1e] =	wrdreg s19  }
0x17: {  	s10 =	simm.s32 $0x200;
	s21 =	simm.s32 $0x15200;
	[dreg:$0x1f] =	wrdreg s20  }
0x18: {  	s22 =	simm.s32 $0x15A00;
	s23 =	simm.s32 $0x16200;
	[smem:$0x7F8] =	sst s21  }
0x19: {  	s24 =	simm.s32 $0x16A00;
	s25 =	simm.s32 $0x17200;
	[smem:$0x7F9] =	sst s22  }
0x1a: {  	s4 =	sor.u32 s6, s4;
	s1 =	sadd.s32 s1, s7;
	[smem:$0x7FA] =	sst s23  }
0x1b: {  	s6 =	simm.s32 $0xD200;
	s5 =	sshrl.u32 s26, $0x1;
	[smem:$0x7FB] =	sst s24  }
0x1c: {  	s7 =	simm.s32 $0xDA00;
	s13 =	simm.s32 $0x1;
	[smem:$0x7FC] =	sst s25  }
0x1d: {  	s17 =	simm.s32 $0x1200;
	s18 =	simm.s32 $0x1A00;
	s19 =	simm.s32 $0x2200  }
0x1e: {  	s20 =	simm.s32 $0x2A00;
	s21 =	simm.s32 $0x3200;
	s22 =	simm.s32 $0x3A00  }
0x1f: {  	s23 =	simm.s32 $0x4200;
	s24 =	simm.s32 $0x4A00;
	s25 =	simm.s32 $0x5200  }
0x20: {  	s1 =	sadd.s32 s14, s1;
	s4 =	sadd.s32 s0, s4;
	[dreg:$0x11] =	wrdreg s6  }
0x21: {  	[dreg:$0x12] =	wrdreg s7;
	s6 =	sadd.s32 $0x11C00, s3;
	s7 =	sadd.s32 $0x11D00, s3  }
0x22: {  	s14 =	simm.s32 $0x11A00;
	[dreg:$0x4] =	wrdreg s1;
	s0 =	sadd.s32 $0x1000, s4  }
0x23: {  	s15 =	sadd.s32 $0x2000, s4;
	[smem:$0x7F7] =	sst s4;
	s16 =	sadd.s32 $0x3000, s4  }
0x24: {  	s4 =	sadd.s32 $0x11A00, s3;
	s1 =	ssub.s32 s26, s5;
	[dreg:$0x19] =	wrdreg s14  }
0x25: {  	s5 =	sadd.s32 $0x11B00, s3;
	s26 =	simm.s32 $0x17A00;
	[dreg:$0x5] =	wrdreg s0  }
0x26: {  	s3 =	simm.s32 $0x6;
	s14 =	simm.s32 $0x8200;
	[dreg:$0x6] =	wrdreg s15  }
0x27: {  	[dreg:$0x7] =	wrdreg s16;
	s8 =	smax.u32 s1, $0x1;
	s15 =	simm.s32 $0x12200  }
0x28: {  	v2 =	vlaneseq.u32;
	s16 =	simm.s32 $0x12A00;
	[smem:$0x7FD] =	sst s26;
	s0 =	simm.s32 $0x4  }
0x29: {  	vm0 =	vmmov $0xffff;
	v1 =	vshrl.u32 v2, $0x3;
	s1 =	simm.s32 $0x5;
	s26 =	simm.s32 $0x5A00;
	[dreg:$0x1a] =	wrdreg s15  }
0x2a: {  	v0 =	vand.u32 $0x7, v2;
	v2 =	vor.u32 $0x8, v2;
	v1 =	vmul.u32 $0x8, v1;
	[dreg:$0x1b] =	wrdreg s16;
	s15 =	simm.s32 $0x10200;
	s16 =	simm.s32 $0xA00  }
.LBB2_1:
0x2b: {  	s11 =	rddreg [dreg:$0x4];
	s9 =	simm.s32 $0x7  }
0x2c: {  	[tilespmem:s2], [sflag:$0x7] =	stream.linear.gather [hbm4b:s11+s2], $0x200, $0x38;
	[tilespmem:$0x18200] =	vst v63  }
0x2d: {  	_ =	swait.ge [sflag:s9], $0x200  }
0x2e: {  	s12 =	sld [smem:$0x7F7]  }
0x2f: {  	[sflag:s9] =	ssyncset.done $0x0  }
0x30: {  	[sflag:s9] =	ssyncadd.s32 $0xFFFFFE00  }
0x31: {  	[tilespmem:s10], [sflag:$0x1] =	stream.linear.gather [hbm4b:s12+s2], $0x8000, $0x38;
	[tilespmem:$0x18200] =	vst v63  }
0x32: {  	s11 =	rddreg [dreg:$0x5]  }
0x33: {  	[tilespmem:s14], [sflag:$0x2] =	stream.linear.gather [hbm4b:s11+s2], $0x8000, $0x38;
	[tilespmem:$0x18200] =	vst v63  }
0x34: {  	s9 =	rddreg [dreg:$0x6]  }
0x35: {  	[tilespmem:s15], [sflag:$0x3] =	stream.linear.gather [hbm4b:s9+s2], $0x8000, $0x38;
	[tilespmem:$0x18200] =	vst v63  }
0x36: {  	_ =	swait.ge [sflag:s13], $0x8000  }
0x37: {  	[sflag:s13] =	ssyncset.done $0x0  }
0x38: {  	[sflag:s13] =	ssyncadd.s32 $0xFFFF8000  }
0x39: {  	v3 =	vld [tilespmem:$0x0];
	_ =	sdelay $0x4  }
0x3a: {  	v4 =	vshll.u32 v3, $0x3  }
0x3b: {  	v3 =	vand.u32 $0x7, v3;
	v4 =	vand.u32 $0xFFFFFFC0, v4  }
0x3c: {  	v3 =	vor.u32 v3, v4  }
0x3d: {  	v4 =	vperm.xlane v3, v0;
	_ =	sdelay $0x1  }
0x3e: {  	v4 =	vadd.s32 v1, v4;
	_ =	sdelay $0x4  }
0x3f: {  	[hbm4b:s4+s2] =	stream.indirect_vreg.scatter [tilespmem:s10], [sflag:$0x4], $0x80, v4, vm0, $0xb8;
	[tilespmem:$0x18200] =	vst v63  }
0x40: {  	v3 =	vperm.xlane v3, v2  }
0x41: {  	[hbm4b:s5+s2] =	stream.indirect_vreg.scatter [tilespmem:s16], [sflag:$0x4], $0x80, v4, vm0, $0xb8;
	[tilespmem:$0x18200] =	vst v63  }
0x42: {  	v3 =	vadd.s32 v1, v3  }
0x43: {  	[hbm4b:s6+s2] =	stream.indirect_vreg.scatter [tilespmem:s17], [sflag:$0x4], $0x80, v4, vm0, $0xb8;
	[tilespmem:$0x18200] =	vst v63  }
0x44: {  	_ = 	snop  }
0x45: {  	[hbm4b:s7+s2] =	stream.indirect_vreg.scatter [tilespmem:s18], [sflag:$0x4], $0x80, v4, vm0, $0xb8;
	[tilespmem:$0x18200] =	vst v63  }
0x46: {  	_ = 	snop  }
0x47: {  	[hbm4b:s4+s2] =	stream.indirect_vreg.scatter [tilespmem:s19], [sflag:$0x4], $0x80, v3, vm0, $0xb8;
	[tilespmem:$0x18200] =	vst v63  }
0x48: {  	_ = 	snop  }
0x49: {  	[hbm4b:s5+s2] =	stream.indirect_vreg.scatter [tilespmem:s20], [sflag:$0x4], $0x80, v3, vm0, $0xb8;
	[tilespmem:$0x18200] =	vst v63  }
0x4a: {  	_ = 	snop  }
0x4b: {  	[hbm4b:s6+s2] =	stream.indirect_vreg.scatter [tilespmem:s21], [sflag:$0x4], $0x80, v3, vm0, $0xb8;
	[tilespmem:$0x18200] =	vst v63  }
0x4c: {  	_ = 	snop  }
0x4d: {  	[hbm4b:s7+s2] =	stream.indirect_vreg.scatter [tilespmem:s22], [sflag:$0x4], $0x80, v3, vm0, $0xb8;
	[tilespmem:$0x18200] =	vst v63  }
0x4e: {  	v3 =	vld [tilespmem:$0x10];
	_ =	sdelay $0x4  }
0x4f: {  	v57 =	vshll.u32 v3, $0x3  }
0x50: {  	v3 =	vand.u32 $0x7, v3;
	v4 =	vand.u32 $0xFFFFFFC0, v57  }
0x51: {  	v3 =	vor.u32 v3, v4  }
0x52: {  	v4 =	vperm.xlane v3, v0;
	_ =	sdelay $0x1  }
0x53: {  	v4 =	vadd.s32 v1, v4;
	_ =	sdelay $0x4  }
0x54: {  	[hbm4b:s4+s2] =	stream.indirect_vreg.scatter [tilespmem:s23], [sflag:$0x4], $0x80, v4, vm0, $0xb8;
	[tilespmem:$0x18200] =	vst v63  }
0x55: {  	v3 =	vperm.xlane v3, v2  }
0x56: {  	[hbm4b:s5+s2] =	stream.indirect_vreg.scatter [tilespmem:s24], [sflag:$0x4], $0x80, v4, vm0, $0xb8;
	[tilespmem:$0x18200] =	vst v63  }
0x57: {  	v3 =	vadd.s32 v1, v3  }
0x58: {  	[hbm4b:s6+s2] =	stream.indirect_vreg.scatter [tilespmem:s25], [sflag:$0x4], $0x80, v4, vm0, $0xb8;
	[tilespmem:$0x18200] =	vst v63  }
0x59: {  	_ = 	snop  }
0x5a: {  	[hbm4b:s7+s2] =	stream.indirect_vreg.scatter [tilespmem:s26], [sflag:$0x4], $0x80, v4, vm0, $0xb8;
	[tilespmem:$0x18200] =	vst v63  }
0x5b: {  	_ = 	snop  }
0x5c: {  	[hbm4b:s4+s2] =	stream.indirect_vreg.scatter [tilespmem:s28], [sflag:$0x4], $0x80, v3, vm0, $0xb8;
	[tilespmem:$0x18200] =	vst v63  }
0x5d: {  	_ = 	snop  }
0x5e: {  	[hbm4b:s5+s2] =	stream.indirect_vreg.scatter [tilespmem:s29], [sflag:$0x4], $0x80, v3, vm0, $0xb8;
	[tilespmem:$0x18200] =	vst v63  }
0x5f: {  	s9 =	simm.s32 $0x7200  }
0x60: {  	[hbm4b:s6+s2] =	stream.indirect_vreg.scatter [tilespmem:s9], [sflag:$0x4], $0x80, v3, vm0, $0xb8;
	[tilespmem:$0x18200] =	vst v63  }
0x61: {  	s12 =	simm.s32 $0x2  }
0x62: {  	[hbm4b:s7+s2] =	stream.indirect_vreg.scatter [tilespmem:s30], [sflag:$0x4], $0x80, v3, vm0, $0xb8;
	[tilespmem:$0x18200] =	vst v63  }
0x63: {  	_ =	swait.ge [sflag:s12], $0x8000  }
0x64: {  	[sflag:s12] =	ssyncset.done $0x0  }
0x65: {  	[sflag:s12] =	ssyncadd.s32 $0xFFFF8000  }
0x66: {  	v3 =	vld [tilespmem:$0x80];
	_ =	sdelay $0x4  }
0x67: {  	v58 =	vshll.u32 v3, $0x3  }
0x68: {  	v3 =	vand.u32 $0x7, v3;
	v4 =	vand.u32 $0xFFFFFFC0, v58  }
0x69: {  	v3 =	vor.u32 v3, v4  }
0x6a: {  	v4 =	vperm.xlane v3, v0;
	_ =	sdelay $0x1  }
0x6b: {  	v4 =	vadd.s32 v1, v4;
	_ =	sdelay $0x4  }
0x6c: {  	[hbm4b:s4+s2] =	stream.indirect_vreg.scatter [tilespmem:s14], [sflag:$0x5], $0x80, v4, vm0, $0xb8;
	[tilespmem:$0x18200] =	vst v63  }
0x6d: {  	s11 =	rddreg [dreg:$0x8];
	v3 =	vperm.xlane v3, v2  }
0x6e: {  	[hbm4b:s5+s2] =	stream.indirect_vreg.scatter [tilespmem:s11], [sflag:$0x5], $0x80, v4, vm0, $0xb8;
	[tilespmem:$0x18200] =	vst v63  }
0x6f: {  	s12 =	rddreg [dreg:$0x9];
	v3 =	vadd.s32 v1, v3  }
0x70: {  	[hbm4b:s6+s2] =	stream.indirect_vreg.scatter [tilespmem:s12], [sflag:$0x5], $0x80, v4, vm0, $0xb8;
	[tilespmem:$0x18200] =	vst v63  }
0x71: {  	s11 =	rddreg [dreg:$0xa]  }
0x72: {  	[hbm4b:s7+s2] =	stream.indirect_vreg.scatter [tilespmem:s11], [sflag:$0x5], $0x80, v4, vm0, $0xb8;
	[tilespmem:$0x18200] =	vst v63  }
0x73: {  	s12 =	rddreg [dreg:$0xb]  }
0x74: {  	[hbm4b:s4+s2] =	stream.indirect_vreg.scatter [tilespmem:s12], [sflag:$0x5], $0x80, v3, vm0, $0xb8;
	[tilespmem:$0x18200] =	vst v63  }
0x75: {  	s11 =	rddreg [dreg:$0xc]  }
0x76: {  	[hbm4b:s5+s2] =	stream.indirect_vreg.scatter [tilespmem:s11], [sflag:$0x5], $0x80, v3, vm0, $0xb8;
	[tilespmem:$0x18200] =	vst v63  }
0x77: {  	s12 =	rddreg [dreg:$0xd]  }
0x78: {  	[hbm4b:s6+s2] =	stream.indirect_vreg.scatter [tilespmem:s12], [sflag:$0x5], $0x80, v3, vm0, $0xb8;
	[tilespmem:$0x18200] =	vst v63  }
0x79: {  	s11 =	rddreg [dreg:$0xe]  }
0x7a: {  	[hbm4b:s7+s2] =	stream.indirect_vreg.scatter [tilespmem:s11], [sflag:$0x5], $0x80, v3, vm0, $0xb8;
	[tilespmem:$0x18200] =	vst v63  }
0x7b: {  	v3 =	vld [tilespmem:$0x90];
	_ =	sdelay $0x4  }
0x7c: {  	v59 =	vshll.u32 v3, $0x3  }
0x7d: {  	v3 =	vand.u32 $0x7, v3;
	v4 =	vand.u32 $0xFFFFFFC0, v59  }
0x7e: {  	v3 =	vor.u32 v3, v4  }
0x7f: {  	v4 =	vperm.xlane v3, v0;
	_ =	sdelay $0x1  }
0x80: {  	v4 =	vadd.s32 v1, v4;
	_ =	sdelay $0x3  }
0x81: {  	s11 =	rddreg [dreg:$0xf]  }
0x82: {  	[hbm4b:s4+s2] =	stream.indirect_vreg.scatter [tilespmem:s11], [sflag:$0x5], $0x80, v4, vm0, $0xb8;
	[tilespmem:$0x18200] =	vst v63  }
0x83: {  	s12 =	rddreg [dreg:$0x10];
	v3 =	vperm.xlane v3, v2  }
0x84: {  	[hbm4b:s5+s2] =	stream.indirect_vreg.scatter [tilespmem:s12], [sflag:$0x5], $0x80, v4, vm0, $0xb8;
	[tilespmem:$0x18200] =	vst v63  }
0x85: {  	v3 =	vadd.s32 v1, v3;
	s11 =	rddreg [dreg:$0x11]  }
0x86: {  	[hbm4b:s6+s2] =	stream.indirect_vreg.scatter [tilespmem:s11], [sflag:$0x5], $0x80, v4, vm0, $0xb8;
	[tilespmem:$0x18200] =	vst v63  }
0x87: {  	s12 =	rddreg [dreg:$0x12]  }
0x88: {  	[hbm4b:s7+s2] =	stream.indirect_vreg.scatter [tilespmem:s12], [sflag:$0x5], $0x80, v4, vm0, $0xb8;
	[tilespmem:$0x18200] =	vst v63  }
0x89: {  	s11 =	rddreg [dreg:$0x13]  }
0x8a: {  	[hbm4b:s4+s2] =	stream.indirect_vreg.scatter [tilespmem:s11], [sflag:$0x5], $0x80, v3, vm0, $0xb8;
	[tilespmem:$0x18200] =	vst v63  }
0x8b: {  	s12 =	rddreg [dreg:$0x14]  }
0x8c: {  	[hbm4b:s5+s2] =	stream.indirect_vreg.scatter [tilespmem:s12], [sflag:$0x5], $0x80, v3, vm0, $0xb8;
	[tilespmem:$0x18200] =	vst v63  }
0x8d: {  	s11 =	rddreg [dreg:$0x15]  }
0x8e: {  	[hbm4b:s6+s2] =	stream.indirect_vreg.scatter [tilespmem:s11], [sflag:$0x5], $0x80, v3, vm0, $0xb8;
	[tilespmem:$0x18200] =	vst v63  }
0x8f: {  	s12 =	rddreg [dreg:$0x16]  }
0x90: {  	[hbm4b:s7+s2] =	stream.indirect_vreg.scatter [tilespmem:s12], [sflag:$0x5], $0x80, v3, vm0, $0xb8;
	[tilespmem:$0x18200] =	vst v63  }
0x91: {  	_ =	swait.ge [sflag:s31], $0x8000  }
0x92: {  	[sflag:s31] =	ssyncset.done $0x0  }
0x93: {  	[sflag:s31] =	ssyncadd.s32 $0xFFFF8000  }
0x94: {  	v3 =	vld [tilespmem:$0x100];
	_ =	sdelay $0x4  }
0x95: {  	v60 =	vshll.u32 v3, $0x3  }
0x96: {  	v3 =	vand.u32 $0x7, v3;
	v4 =	vand.u32 $0xFFFFFFC0, v60  }
0x97: {  	v3 =	vor.u32 v3, v4  }
0x98: {  	v4 =	vperm.xlane v3, v0;
	_ =	sdelay $0x1  }
0x99: {  	v4 =	vadd.s32 v1, v4;
	_ =	sdelay $0x4  }
0x9a: {  	[hbm4b:s4+s2] =	stream.indirect_vreg.scatter [tilespmem:s15], [sflag:$0x6], $0x80, v4, vm0, $0xb8;
	[tilespmem:$0x18200] =	vst v63  }
0x9b: {  	s11 =	rddreg [dreg:$0x17];
	v3 =	vperm.xlane v3, v2  }
0x9c: {  	[hbm4b:s5+s2] =	stream.indirect_vreg.scatter [tilespmem:s11], [sflag:$0x6], $0x80, v4, vm0, $0xb8;
	[tilespmem:$0x18200] =	vst v63  }
0x9d: {  	s12 =	rddreg [dreg:$0x18];
	v3 =	vadd.s32 v1, v3  }
0x9e: {  	[hbm4b:s6+s2] =	stream.indirect_vreg.scatter [tilespmem:s12], [sflag:$0x6], $0x80, v4, vm0, $0xb8;
	[tilespmem:$0x18200] =	vst v63  }
0x9f: {  	s11 =	rddreg [dreg:$0x19]  }
0xa0: {  	[hbm4b:s7+s2] =	stream.indirect_vreg.scatter [tilespmem:s11], [sflag:$0x6], $0x80, v4, vm0, $0xb8;
	[tilespmem:$0x18200] =	vst v63  }
0xa1: {  	s12 =	rddreg [dreg:$0x1a]  }
0xa2: {  	[hbm4b:s4+s2] =	stream.indirect_vreg.scatter [tilespmem:s12], [sflag:$0x6], $0x80, v3, vm0, $0xb8;
	[tilespmem:$0x18200] =	vst v63  }
0xa3: {  	s11 =	rddreg [dreg:$0x1b]  }
0xa4: {  	[hbm4b:s5+s2] =	stream.indirect_vreg.scatter [tilespmem:s11], [sflag:$0x6], $0x80, v3, vm0, $0xb8;
	[tilespmem:$0x18200] =	vst v63  }
0xa5: {  	s12 =	rddreg [dreg:$0x1c]  }
0xa6: {  	[hbm4b:s6+s2] =	stream.indirect_vreg.scatter [tilespmem:s12], [sflag:$0x6], $0x80, v3, vm0, $0xb8;
	[tilespmem:$0x18200] =	vst v63  }
0xa7: {  	s11 =	rddreg [dreg:$0x1d]  }
0xa8: {  	[hbm4b:s7+s2] =	stream.indirect_vreg.scatter [tilespmem:s11], [sflag:$0x6], $0x80, v3, vm0, $0xb8;
	[tilespmem:$0x18200] =	vst v63  }
0xa9: {  	v3 =	vld [tilespmem:$0x110];
	_ =	sdelay $0x4  }
0xaa: {  	v61 =	vshll.u32 v3, $0x3  }
0xab: {  	v3 =	vand.u32 $0x7, v3;
	v4 =	vand.u32 $0xFFFFFFC0, v61  }
0xac: {  	v3 =	vor.u32 v3, v4  }
0xad: {  	v4 =	vperm.xlane v3, v0;
	_ =	sdelay $0x1  }
0xae: {  	v4 =	vadd.s32 v1, v4;
	_ =	sdelay $0x2  }
0xaf: {  	s12 =	rddreg [dreg:$0x1f]  }
0xb0: {  	s11 =	rddreg [dreg:$0x1e]  }
0xb1: {  	[hbm4b:s4+s2] =	stream.indirect_vreg.scatter [tilespmem:s11], [sflag:$0x6], $0x80, v4, vm0, $0xb8;
	[tilespmem:$0x18200] =	vst v63  }
0xb2: {  	v3 =	vperm.xlane v3, v2;
	s11 =	sld [smem:$0x7F8]  }
0xb3: {  	[hbm4b:s5+s2] =	stream.indirect_vreg.scatter [tilespmem:s12], [sflag:$0x6], $0x80, v4, vm0, $0xb8;
	[tilespmem:$0x18200] =	vst v63  }
0xb4: {  	v3 =	vadd.s32 v1, v3;
	s12 =	sld [smem:$0x7F9]  }
0xb5: {  	[hbm4b:s6+s2] =	stream.indirect_vreg.scatter [tilespmem:s11], [sflag:$0x6], $0x80, v4, vm0, $0xb8;
	[tilespmem:$0x18200] =	vst v63  }
0xb6: {  	s11 =	sld [smem:$0x7FA]  }
0xb7: {  	[hbm4b:s7+s2] =	stream.indirect_vreg.scatter [tilespmem:s12], [sflag:$0x6], $0x80, v4, vm0, $0xb8;
	[tilespmem:$0x18200] =	vst v63  }
0xb8: {  	s12 =	sld [smem:$0x7FB]  }
0xb9: {  	[hbm4b:s4+s2] =	stream.indirect_vreg.scatter [tilespmem:s11], [sflag:$0x6], $0x80, v3, vm0, $0xb8;
	[tilespmem:$0x18200] =	vst v63  }
0xba: {  	s11 =	sld [smem:$0x7FC]  }
0xbb: {  	[hbm4b:s5+s2] =	stream.indirect_vreg.scatter [tilespmem:s12], [sflag:$0x6], $0x80, v3, vm0, $0xb8;
	[tilespmem:$0x18200] =	vst v63  }
0xbc: {  	s12 =	sld [smem:$0x7FD]  }
0xbd: {  	[hbm4b:s6+s2] =	stream.indirect_vreg.scatter [tilespmem:s11], [sflag:$0x6], $0x80, v3, vm0, $0xb8;
	[tilespmem:$0x18200] =	vst v63  }
0xbe: {  	_ = 	snop  }
0xbf: {  	[hbm4b:s7+s2] =	stream.indirect_vreg.scatter [tilespmem:s12], [sflag:$0x6], $0x80, v3, vm0, $0xb8;
	[tilespmem:$0x18200] =	vst v63  }
0xc0: {  	_ =	swait.ge [sflag:s0], $0x8000  }
0xc1: {  	[sflag:s0] =	ssyncset.done $0x0  }
0xc2: {  	s12 =	rddreg [dreg:$0x7];
	[sflag:s0] =	ssyncadd.s32 $0xFFFF8000  }
0xc3: {  	[tilespmem:s10], [sflag:$0x1] =	stream.linear.gather [hbm4b:s12+s2], $0x8000, $0x38;
	[tilespmem:$0x18200] =	vst v63  }
0xc4: {  	_ =	swait.ge [sflag:s13], $0x8000  }
0xc5: {  	[sflag:s13] =	ssyncset.done $0x0  }
0xc6: {  	[sflag:s13] =	ssyncadd.s32 $0xFFFF8000  }
0xc7: {  	v3 =	vld [tilespmem:$0x180];
	_ =	sdelay $0x4  }
0xc8: {  	v62 =	vshll.u32 v3, $0x3  }
0xc9: {  	v3 =	vand.u32 $0x7, v3;
	v4 =	vand.u32 $0xFFFFFFC0, v62  }
0xca: {  	v3 =	vor.u32 v3, v4  }
0xcb: {  	v4 =	vperm.xlane v3, v0;
	_ =	sdelay $0x1  }
0xcc: {  	v4 =	vadd.s32 v1, v4;
	_ =	sdelay $0x4  }
0xcd: {  	[hbm4b:s4+s2] =	stream.indirect_vreg.scatter [tilespmem:s10], [sflag:$0x4], $0x80, v4, vm0, $0xb8;
	[tilespmem:$0x18200] =	vst v63  }
0xce: {  	v3 =	vperm.xlane v3, v2  }
0xcf: {  	[hbm4b:s5+s2] =	stream.indirect_vreg.scatter [tilespmem:s16], [sflag:$0x4], $0x80, v4, vm0, $0xb8;
	[tilespmem:$0x18200] =	vst v63  }
0xd0: {  	v3 =	vadd.s32 v1, v3  }
0xd1: {  	[hbm4b:s6+s2] =	stream.indirect_vreg.scatter [tilespmem:s17], [sflag:$0x4], $0x80, v4, vm0, $0xb8;
	[tilespmem:$0x18200] =	vst v63  }
0xd2: {  	_ = 	snop  }
0xd3: {  	[hbm4b:s7+s2] =	stream.indirect_vreg.scatter [tilespmem:s18], [sflag:$0x4], $0x80, v4, vm0, $0xb8;
	[tilespmem:$0x18200] =	vst v63  }
0xd4: {  	_ = 	snop  }
0xd5: {  	[hbm4b:s4+s2] =	stream.indirect_vreg.scatter [tilespmem:s19], [sflag:$0x4], $0x80, v3, vm0, $0xb8;
	[tilespmem:$0x18200] =	vst v63  }
0xd6: {  	_ = 	snop  }
0xd7: {  	[hbm4b:s5+s2] =	stream.indirect_vreg.scatter [tilespmem:s20], [sflag:$0x4], $0x80, v3, vm0, $0xb8;
	[tilespmem:$0x18200] =	vst v63  }
0xd8: {  	_ = 	snop  }
0xd9: {  	[hbm4b:s6+s2] =	stream.indirect_vreg.scatter [tilespmem:s21], [sflag:$0x4], $0x80, v3, vm0, $0xb8;
	[tilespmem:$0x18200] =	vst v63  }
0xda: {  	_ = 	snop  }
0xdb: {  	[hbm4b:s7+s2] =	stream.indirect_vreg.scatter [tilespmem:s22], [sflag:$0x4], $0x80, v3, vm0, $0xb8;
	[tilespmem:$0x18200] =	vst v63  }
0xdc: {  	v3 =	vld [tilespmem:$0x190];
	_ =	sdelay $0x4  }
0xdd: {  	v63 =	vshll.u32 v3, $0x3  }
0xde: {  	v3 =	vand.u32 $0x7, v3;
	v4 =	vand.u32 $0xFFFFFFC0, v63  }
0xdf: {  	v3 =	vor.u32 v3, v4  }
0xe0: {  	v4 =	vperm.xlane v3, v0;
	_ =	sdelay $0x1  }
0xe1: {  	v4 =	vadd.s32 v1, v4;
	_ =	sdelay $0x4  }
0xe2: {  	[hbm4b:s4+s2] =	stream.indirect_vreg.scatter [tilespmem:s23], [sflag:$0x4], $0x80, v4, vm0, $0xb8;
	[tilespmem:$0x18200] =	vst v63  }
0xe3: {  	v3 =	vperm.xlane v3, v2  }
0xe4: {  	[hbm4b:s5+s2] =	stream.indirect_vreg.scatter [tilespmem:s24], [sflag:$0x4], $0x80, v4, vm0, $0xb8;
	[tilespmem:$0x18200] =	vst v63  }
0xe5: {  	v3 =	vadd.s32 v1, v3  }
0xe6: {  	[hbm4b:s6+s2] =	stream.indirect_vreg.scatter [tilespmem:s25], [sflag:$0x4], $0x80, v4, vm0, $0xb8;
	[tilespmem:$0x18200] =	vst v63  }
0xe7: {  	_ = 	snop  }
0xe8: {  	[hbm4b:s7+s2] =	stream.indirect_vreg.scatter [tilespmem:s26], [sflag:$0x4], $0x80, v4, vm0, $0xb8;
	[tilespmem:$0x18200] =	vst v63  }
0xe9: {  	_ = 	snop  }
0xea: {  	[hbm4b:s4+s2] =	stream.indirect_vreg.scatter [tilespmem:s28], [sflag:$0x4], $0x80, v3, vm0, $0xb8;
	[tilespmem:$0x18200] =	vst v63  }
0xeb: {  	_ = 	snop  }
0xec: {  	[hbm4b:s5+s2] =	stream.indirect_vreg.scatter [tilespmem:s29], [sflag:$0x4], $0x80, v3, vm0, $0xb8;
	[tilespmem:$0x18200] =	vst v63  }
0xed: {  	_ = 	snop  }
0xee: {  	[hbm4b:s6+s2] =	stream.indirect_vreg.scatter [tilespmem:s9], [sflag:$0x4], $0x80, v3, vm0, $0xb8;
	[tilespmem:$0x18200] =	vst v63  }
0xef: {  	_ = 	snop  }
0xf0: {  	[hbm4b:s7+s2] =	stream.indirect_vreg.scatter [tilespmem:s30], [sflag:$0x4], $0x80, v3, vm0, $0xb8;
	[tilespmem:$0x18200] =	vst v63  }
0xf1: {  	_ =	swait.ge [sflag:s1], $0x8000  }
0xf2: {  	[sflag:s1] =	ssyncset.done $0x0  }
0xf3: {  	[sflag:s1] =	ssyncadd.s32 $0xFFFF8000  }
0xf4: {  	p0 =	sne.s32 s8, $0x1;
	_ =	swait.ge [sflag:s3], $0x8000  }
.Ltmp0:
0xf5: {  	[sflag:s3] =	ssyncset.done $0x0;
	(pc) =	sbr.rel @p0 .LBB2_1-.Ltmp0, $4  }
0xf6: {  	[sflag:s3] =	ssyncadd.s32 $0xFFFF8000  }
0xf7: {  	_ =	swait.ge [sflag:s0], $0x8000  }
0xf8: {  	[sflag:s0] =	ssyncset.done $0x0  }
0xf9: {  	s8 =	sadd.s32 $0xFFFFFFFF, s8;
	[sflag:s0] =	ssyncadd.s32 $0xFFFF8000  }
0xfa: {  	_ =	sfence.sel $0x180000  }
0xfb: {  	[bflag:$0x0] =	sbarrier.arrive $0xFFFF  }
0xfc: {  	_ =	strace $0x90000047  }
0xfd: {  	s0 =	stileid.u32;
	[bflag:$0x2] =	sbarrier.arrive $0xFFFF  }
0xfe: {  	p0 =	sne.s32 s0, $0x0;
	s0 =	rddreg [dreg:$0x3]  }
0xff: {  	s0 =	sadd.s32 @!p0 $0x100000, s0  }
0x100: {  	[sflag:s0] =	ssyncadd.tile.s32 @!p0 $0x1;
	_ =	shalt  }
.Lfunc_end2:
_tile_overlayer_lowered:
.L_overlay_start_2:
0x101: {  	(tag) =	ssettag $0x2  }
0x102: {  	s0 =	rddreg [dreg:$0x0];
	s2 =	stileid.u32  }
0x103: {  	s1 =	rddreg [dreg:$0x1];
	p0 =	sne.s32 s2, $0x0  }
0x104: {  	s3 =	rddreg [dreg:$0x2];
	[bflag:$0x3] =	sbarrier.arrive $0xFFFF;
	s2 =	simm.s32 @!p0 $0x1C07  }
0x105: {  	[timem:s3], [sflag:s2] =	dma.local @!p0 [hbm:s0], s1  }
0x106: {  	s0 =	simm.s32 @!p0 $0x7  }
0x107: {  	_ =	swait.ge @!p0 [sflag:s0], s1  }
0x108: {  	s1 =	ssub.s32 @!p0 $0x0, s1;
	[sflag:s0] =	ssyncset.done @!p0 $0x0  }
0x109: {  	[sflag:s0] =	ssyncadd.s32 @!p0 s1  }
0x10a: {  	[bflag:$0x3] =	sbarrier.arrive $0xFFFF  }
0x10b: {  	_ =	shalt  }

</sc_bundles>
